<compile_context>
chip_gen: v7x
topology: tpu7x:2x2x1
jax: 0.10.2.dev20260603
libtpu: 0.0.44.dev20260713+nightly
codegen_flags: <defaults>
</compile_context>

<pallas_src>
import functools

import jax
import jax.numpy as jnp
from jax import lax
from jax.experimental import pallas as pl
from jax.experimental.pallas import tpu as pltpu
from jax.experimental.pallas import tpu_sc as plsc

NC = 2
NS = 16
LANES = 16
B = 128

F32 = jnp.float32


def _sc_aggregate(nf2, efeats, u2d, v2d, n_pad, n_edges, nblk):
    hdim = nf2.shape[1]
    edim = efeats.shape[1]
    rows_per_tile = n_pad // NS
    nzb = rows_per_tile // B

    mesh = plsc.VectorSubcoreMesh(core_axis_name="c", subcore_axis_name="s")
    out_types = (
        jax.ShapeDtypeStruct((NC, n_pad, hdim), F32),
        jax.ShapeDtypeStruct((NC, n_pad, edim), F32),
    )

    @functools.partial(
        pl.kernel,
        out_type=out_types,
        mesh=mesh,
        scratch_types=[
            pltpu.VMEM((nblk, B), jnp.int32),
            pltpu.VMEM((nblk, B), jnp.int32),
            pltpu.VMEM((B, hdim), F32),
            pltpu.VMEM((B, hdim), F32),
            pltpu.VMEM((B, edim), F32),
            pltpu.VMEM((B, edim), F32),
            pltpu.VMEM((B, edim), F32),
            pltpu.VMEM((B, hdim), F32),
            pltpu.VMEM((B, edim), F32),
            pltpu.VMEM_SHARED((n_pad, hdim), F32),
            pltpu.VMEM_SHARED((n_pad, edim), F32),
            pltpu.SemaphoreType.DMA,
            pltpu.SemaphoreType.DMA,
            pltpu.SemaphoreType.DMA,
            pltpu.SemaphoreType.DMA,
        ],
        compiler_params=pltpu.CompilerParams(use_tc_tiling_on_sc=False),
    )
    def agg(nf_hbm, ef_hbm, u_hbm, v_hbm, outN, outE,
            u_v, v_v, row0, row1, ebuf0, ebuf1, ones_v, zbufN, zbufE,
            accN, acc2, gsem0, gsem1, ssem0, ssem1):
        cid = lax.axis_index("c")
        sid = lax.axis_index("s")
        rows = (row0, row1)
        ebufs = (ebuf0, ebuf1)
        gsems = (gsem0, gsem1)
        ssems = (ssem0, ssem1)
        on_c0 = cid == 0

        @pl.loop(0, B)
        def _(r):
            @pl.loop(0, hdim // LANES)
            def _(cc):
                zbufN.at[pl.ds(r, 1), pl.ds(cc * LANES, LANES)][...] = (
                    jnp.zeros((1, LANES), F32))
            zbufE.at[pl.ds(r, 1), pl.ds(0, LANES)][...] = (
                jnp.zeros((1, LANES), F32))
            ones_v.at[pl.ds(r, 1), pl.ds(0, LANES)][...] = (
                jnp.ones((1, LANES), F32))

        @pl.loop(0, nzb)
        def _(kk):
            base = sid * rows_per_tile + kk * B
            pltpu.sync_copy(zbufN, accN.at[pl.ds(base, B)])
            pltpu.sync_copy(zbufE, acc2.at[pl.ds(base, B)])

        pltpu.sync_copy(u_hbm.at[pl.ds(sid * nblk, nblk)], u_v)
        pltpu.sync_copy(v_hbm.at[pl.ds(sid * nblk, nblk)], v_v)
        cvec = jnp.full((1, LANES), 0, jnp.int32) + cid

        @pl.loop(0, nblk)
        def _(r):
            @pl.loop(0, B // LANES)
            def _(cc):
                slc = (pl.ds(r, 1), pl.ds(cc * LANES, LANES))
                u_v.at[*slc][...] = u_v.at[*slc][...] * 2 + cvec

        plsc.subcore_barrier()
        ebase = sid * nblk * B

        def my_ef(j):
            return on_c0 & (ebase + j * B + B <= n_edges)

        def g_start(j, b):
            pltpu.async_copy(nf_hbm.at[u_v.at[j]], rows[b], gsems[b])

            @pl.when(my_ef(j))
            def _():
                pltpu.async_copy(ef_hbm.at[pl.ds(ebase + j * B, B)],
                                 ebufs[b], gsems[b])

        def g_wait(j, b):
            pltpu.make_async_copy(nf_hbm.at[u_v.at[j]], rows[b],
                                  gsems[b]).wait()

            @pl.when(my_ef(j))
            def _():
                pltpu.make_async_copy(ef_hbm.at[pl.ds(ebase + j * B, B)],
                                      ebufs[b], gsems[b]).wait()

        def s_start(j, b):
            pltpu.async_copy(rows[b], accN.at[v_v.at[j]], ssems[b], add=True)

            @pl.when(my_ef(j))
            def _():
                pltpu.async_copy(ebufs[b], acc2.at[v_v.at[j]], ssems[b],
                                 add=True)

            @pl.when(~on_c0)
            def _():
                pltpu.async_copy(ones_v, acc2.at[v_v.at[j]], ssems[b],
                                 add=True)

        def s_wait(j, b):
            pltpu.make_async_copy(rows[b], accN.at[v_v.at[j]],
                                  ssems[b]).wait()

            @pl.when(my_ef(j))
            def _():
                pltpu.make_async_copy(ebufs[b], acc2.at[v_v.at[j]],
                                      ssems[b]).wait()

            @pl.when(~on_c0)
            def _():
                pltpu.make_async_copy(ones_v, acc2.at[v_v.at[j]],
                                      ssems[b]).wait()

        g_start(0, 0)

        @pl.loop(0, nblk // 2)
        def _(jo):
            j0 = 2 * jo
            j1 = j0 + 1
            g_start(j1, 1)
            g_wait(j0, 0)
            s_start(j0, 0)
            s_wait(j0, 0)

            @pl.when(jo < nblk // 2 - 1)
            def _():
                g_start(j0 + 2, 0)

            g_wait(j1, 1)
            s_start(j1, 1)
            s_wait(j1, 1)

        plsc.subcore_barrier()
        rb = sid * rows_per_tile
        pltpu.sync_copy(accN.at[pl.ds(rb, rows_per_tile)],
                        outN.at[cid, pl.ds(rb, rows_per_tile)])
        pltpu.sync_copy(acc2.at[pl.ds(rb, rows_per_tile)],
                        outE.at[cid, pl.ds(rb, rows_per_tile)])

    return agg(nf2, efeats, u2d, v2d)


def _tc_node_update(accN, accE, nfeats, W1, W2, W3, We1, We2, bap):
    n, ndim = nfeats.shape
    hdim = accN.shape[2]
    edim = accE.shape[2]
    eout = We1.shape[0]
    R = 1000
    grid = (n // R,)

    def body(aN, aE, nf, w1, w2, w3, we1, we2, b, h_ref, a_ref, b_ref):
        dn = (((1,), (1,)), ((), ()))
        deg = jnp.maximum(aE[1, :, 0:1], 1.0)
        w2v = w2[...]
        neigh = (
            lax.dot_general(aN[0], w2v[:, :hdim], dn,
                            preferred_element_type=F32)
            + lax.dot_general(aN[1], w2v[:, hdim:], dn,
                              preferred_element_type=F32)
            + lax.dot_general(aE[0], w3[...], dn, preferred_element_type=F32)
        ) / deg
        h = lax.dot_general(nf[...], w1[...], dn, preferred_element_type=F32)
        h = jnp.maximum(h + neigh + b[...], 0.0)
        h_ref[...] = h
        a_ref[...] = lax.dot_general(h, we1[...], dn,
                                     preferred_element_type=F32)
        b_ref[...] = lax.dot_general(h, we2[...], dn,
                                     preferred_element_type=F32)

    full = lambda shape: pl.BlockSpec(shape, lambda i: tuple(0 for _ in shape))
    return pl.pallas_call(
        body,
        grid=grid,
        in_specs=[
            pl.BlockSpec((NC, R, hdim), lambda i: (0, i, 0)),
            pl.BlockSpec((NC, R, edim), lambda i: (0, i, 0)),
            pl.BlockSpec((R, ndim), lambda i: (i, 0)),
            full(W1.shape), full(W2.shape), full(W3.shape),
            full(We1.shape), full(We2.shape), full(bap.shape),
        ],
        out_specs=[
            pl.BlockSpec((R, ndim), lambda i: (i, 0)),
            pl.BlockSpec((R, eout), lambda i: (i, 0)),
            pl.BlockSpec((R, eout), lambda i: (i, 0)),
        ],
        out_shape=[
            jax.ShapeDtypeStruct((n, ndim), F32),
            jax.ShapeDtypeStruct((n, eout), F32),
            jax.ShapeDtypeStruct((n, eout), F32),
        ],
    )(accN, accE, nfeats, W1, W2, W3, We1, We2, bap)


def _sc_edge_gather(A, Bm, u2d, v2d, nblk):
    eout = A.shape[1]
    e_pad = NS * nblk * B
    mesh = plsc.VectorSubcoreMesh(core_axis_name="c", subcore_axis_name="s")
    out_types = (
        jax.ShapeDtypeStruct((e_pad, eout), F32),
        jax.ShapeDtypeStruct((e_pad, eout), F32),
    )

    @functools.partial(
        pl.kernel,
        out_type=out_types,
        mesh=mesh,
        scratch_types=[
            pltpu.VMEM((nblk, B), jnp.int32),
            pltpu.VMEM((B, eout), F32),
            pltpu.VMEM((B, eout), F32),
            pltpu.SemaphoreType.DMA,
            pltpu.SemaphoreType.DMA,
            pltpu.SemaphoreType.DMA,
            pltpu.SemaphoreType.DMA,
        ],
        compiler_params=pltpu.CompilerParams(use_tc_tiling_on_sc=False),
    )
    def eg(a_hbm, b_hbm, u_hbm, v_hbm, ga_hbm, gb_hbm,
           i_v, buf0, buf1, gsem0, gsem1, wsem0, wsem1):
        cid = lax.axis_index("c")
        sid = lax.axis_index("s")
        on_c0 = cid == 0
        bufs = (buf0, buf1)
        gsems = (gsem0, gsem1)
        wsems = (wsem0, wsem1)
        ebase = sid * nblk * B

        @pl.when(on_c0)
        def _():
            pltpu.sync_copy(u_hbm.at[pl.ds(sid * nblk, nblk)], i_v)

        @pl.when(~on_c0)
        def _():
            pltpu.sync_copy(v_hbm.at[pl.ds(sid * nblk, nblk)], i_v)

        def g_start(j, b):
            @pl.when(on_c0)
            def _():
                pltpu.async_copy(a_hbm.at[i_v.at[j]], bufs[b], gsems[b])

            @pl.when(~on_c0)
            def _():
                pltpu.async_copy(b_hbm.at[i_v.at[j]], bufs[b], gsems[b])

        def g_wait(j, b):
            pltpu.make_async_copy(a_hbm.at[i_v.at[j]], bufs[b],
                                  gsems[b]).wait()

        def w_start(j, b):
            @pl.when(on_c0)
            def _():
                pltpu.async_copy(bufs[b], ga_hbm.at[pl.ds(ebase + j * B, B)],
                                 wsems[b])

            @pl.when(~on_c0)
            def _():
                pltpu.async_copy(bufs[b], gb_hbm.at[pl.ds(ebase + j * B, B)],
                                 wsems[b])

        def w_wait(j, b):
            pltpu.make_async_copy(bufs[b],
                                  ga_hbm.at[pl.ds(ebase + j * B, B)],
                                  wsems[b]).wait()

        g_start(0, 0)

        @pl.loop(0, nblk // 2)
        def _(jo):
            j0 = 2 * jo
            j1 = j0 + 1
            g_start(j1, 1)
            g_wait(j0, 0)
            w_start(j0, 0)
            w_wait(j0, 0)

            @pl.when(jo < nblk // 2 - 1)
            def _():
                g_start(j0 + 2, 0)

            g_wait(j1, 1)
            w_start(j1, 1)
            w_wait(j1, 1)

    return eg(A, Bm, u2d, v2d)


def _tc_edge_update(Ga, Gb, bias_row, n_rows):
    blk = n_rows // 10

    def body(ga, gb, b, o_ref):
        o_ref[...] = jnp.maximum(ga[...] + gb[...] + b[...], 0.0)

    return pl.pallas_call(
        body,
        grid=(10,),
        in_specs=[
            pl.BlockSpec((blk, 128), lambda i: (i, 0)),
            pl.BlockSpec((blk, 128), lambda i: (i, 0)),
            pl.BlockSpec((1, 128), lambda i: (0, 0)),
        ],
        out_specs=pl.BlockSpec((blk, 128), lambda i: (i, 0)),
        out_shape=jax.ShapeDtypeStruct((n_rows, 128), F32),
    )(Ga, Gb, bias_row)


def kernel(nfeats, edge_index, efeats, W_apply, b_apply, W_edge, b_edge):
    N, ndim = nfeats.shape
    E, edim = efeats.shape
    nout = W_apply.shape[0]
    eout = W_edge.shape[0]
    hdim = ndim // 2

    u = edge_index[0].astype(jnp.int32)
    v = edge_index[1].astype(jnp.int32)

    nblk = -(-E // (NS * B))
    nblk += nblk % 2
    e_pad = NS * nblk * B
    n_pad = -(-(N + 1) // (NS * B)) * (NS * B)
    u2d = jnp.pad(u, (0, e_pad - E)).reshape(NS * nblk, B)
    v2d = jnp.pad(v, (0, e_pad - E), constant_values=N).reshape(NS * nblk, B)
    nf2 = nfeats.reshape(2 * N, hdim)

    accN, accE = _sc_aggregate(nf2, efeats, u2d, v2d, n_pad, E, nblk)

    W1 = W_apply[:, :ndim]
    W2 = W_apply[:, ndim:2 * ndim]
    W3 = W_apply[:, 2 * ndim:]
    We1 = W_edge[:, :nout]
    We2 = W_edge[:, nout:]
    h, A, Bm = _tc_node_update(accN, accE, nfeats,
                               W1, W2, W3, We1, We2,
                               b_apply.reshape(1, nout))

    Ga, Gb = _sc_edge_gather(A, Bm, u2d, v2d, nblk)
    rows = e_pad * eout // 128
    n_rows = E * eout // 128
    bias_row = jnp.tile(b_edge, 128 // eout).reshape(1, 128)
    he = _tc_edge_update(Ga.reshape(rows, 128), Gb.reshape(rows, 128),
                         bias_row, n_rows)

    h_edges_new = he.reshape(E, eout)
    return (h, h_edges_new)

# --- scband reference (transcript-rebuilt; emitter-appended) ---
"""Pipeline reference for scband-egraph-sagelayer-9414568312948 (READ-ONLY COPY).

The authoritative reference and input builder live on the scoring server;
editing this copy changes nothing except your own understanding.
"""

import jax, jax.numpy as jnp
import numpy as np

N = 10000
E = 320000
NDIM_IN = 128
EDIM_IN = 16
NDIM_OUT = 128
EDIM_OUT = 16


def setup_inputs(seed: int = 0) -> dict:
    key = jax.random.key(seed)
    k1, k2, k3, k4, k5, k6, k7 = jax.random.split(key, 7)
    nfeats = jax.random.normal(k1, (N, NDIM_IN), dtype=jnp.float32)
    edge_index = jax.random.randint(k2, (2, E), 0, N, dtype=jnp.int64)
    efeats = jax.random.normal(k3, (E, EDIM_IN), dtype=jnp.float32)
    # Linear params (torch convention: W [out, in], y = x @ W.T + b)
    in_apply = NDIM_IN + NDIM_IN + EDIM_IN
    W_apply = jax.random.normal(k4, (NDIM_OUT, in_apply), dtype=jnp.float32) * (1.0 / np.sqrt(in_apply))
    b_apply = jax.random.normal(k5, (NDIM_OUT,), dtype=jnp.float32) * 0.01
    in_edge = NDIM_OUT * 2
    W_edge = jax.random.normal(k6, (EDIM_OUT, in_edge), dtype=jnp.float32) * (1.0 / np.sqrt(in_edge))
    b_edge = jax.random.normal(k7, (EDIM_OUT,), dtype=jnp.float32) * 0.01
    return {"nfeats": nfeats, "edge_index": edge_index, "efeats": efeats,
            "W_apply": W_apply, "b_apply": b_apply, "W_edge": W_edge, "b_edge": b_edge}


def reference(nfeats, edge_index, efeats, W_apply, b_apply, W_edge, b_edge):
    u = edge_index[0]  # src
    v = edge_index[1]  # dst
    # message: cat(src node feat, edge feat) -> mean aggregated at dst
    m = jnp.concatenate([jnp.take(nfeats, u, axis=0), efeats], axis=1)  # [E, ndim_in+edim_in]
    msum = jax.ops.segment_sum(m, v, num_segments=N)
    deg = jax.ops.segment_sum(jnp.ones((m.shape[0],), dtype=m.dtype), v, num_segments=N)
    h_neigh = msum / jnp.maximum(deg, 1.0)[:, None]
    # node update
    h_nodes_new = jnp.concatenate([nfeats, h_neigh], axis=1) @ W_apply.T + b_apply
    h_nodes_new = jax.nn.relu(h_nodes_new)
    # edge update from new endpoint embeddings
    edge_input = jnp.concatenate([jnp.take(h_nodes_new, u, axis=0), jnp.take(h_nodes_new, v, axis=0)], axis=1)
    h_edges_new = edge_input @ W_edge.T + b_edge
    h_edges_new = jax.nn.relu(h_edges_new)
    return (h_nodes_new, h_edges_new)

if __name__ == "__main__":
    import jax
    _d = setup_inputs()
    print(jax.jit(kernel)(*tuple(_d.values())))

</pallas_src>

<mosaic_0001>
#map = affine_map<(d0, d1) -> (0, 0)>
#map1 = affine_map<(d0, d1) -> (0, 0, 0)>
module attributes {stable_mosaic.version = 14 : i64} {
  func.func @agg(%arg0: i32, %arg1: i32, %arg2: memref<20000x64xf32, #tpu.memory_space<hbm>>, %arg3: memref<320000x16xf32, #tpu.memory_space<hbm>>, %arg4: memref<2528x128xi32, #tpu.memory_space<hbm>>, %arg5: memref<2528x128xi32, #tpu.memory_space<hbm>>, %arg6: memref<2x10240x64xf32, #tpu.memory_space<hbm>>, %arg7: memref<2x10240x16xf32, #tpu.memory_space<hbm>>, %arg8: memref<158x128xi32, #tpu.memory_space<vmem>>, %arg9: memref<158x128xi32, #tpu.memory_space<vmem>>, %arg10: memref<128x64xf32, #tpu.memory_space<vmem>>, %arg11: memref<128x64xf32, #tpu.memory_space<vmem>>, %arg12: memref<128x16xf32, #tpu.memory_space<vmem>>, %arg13: memref<128x16xf32, #tpu.memory_space<vmem>>, %arg14: memref<128x16xf32, #tpu.memory_space<vmem>>, %arg15: memref<128x64xf32, #tpu.memory_space<vmem>>, %arg16: memref<128x16xf32, #tpu.memory_space<vmem>>, %arg17: memref<10240x64xf32, #tpu.memory_space<vmem_shared>>, %arg18: memref<10240x16xf32, #tpu.memory_space<vmem_shared>>, %arg19: memref<!tpu.dma_semaphore, #tpu.memory_space<semaphore_mem>>, %arg20: memref<!tpu.dma_semaphore, #tpu.memory_space<semaphore_mem>>, %arg21: memref<!tpu.dma_semaphore, #tpu.memory_space<semaphore_mem>>, %arg22: memref<!tpu.dma_semaphore, #tpu.memory_space<semaphore_mem>>) attributes {dimension_semantics = [#tpu.dimension_semantics<core_parallel>, #tpu.dimension_semantics<subcore_parallel>], iteration_bounds = array<i64: 2, 16>, scalar_prefetch = 0 : i64, scratch_operands = 15 : i64, tpu.core_type = #tpu.core_type<sc_vector_subcore>, window_params = [{transform_indices = #map}, {transform_indices = #map}, {transform_indices = #map}, {transform_indices = #map}, {transform_indices = #map1}, {transform_indices = #map1}]} {
    %eq3A = arith.constant 0 : i32
    %eq3A_0 = arith.cmpi eq, %arg0, %eq3A : i32
    %scan3A = arith.constant 0 : i32
    %scan3A_1 = arith.constant 128 : i32
    %scan3A_2 = arith.addi %scan3A, %scan3A_1 : i32
    %scan3A_3 = arith.constant 1 : i32
    scf.for %scan3A_44 = %scan3A to %scan3A_2 step %scan3A_3  : i32 {
      %mul3A_45 = arith.constant 1 : i32
      %mul3A_46 = arith.muli %scan3A_44, %mul3A_45 : i32
      %add3A_47 = arith.constant 0 : i32
      %add3A_48 = arith.addi %add3A_47, %mul3A_46 : i32
      %scan3A_49 = arith.constant 0 : i32
      %scan3A_50 = arith.constant 4 : i32
      %scan3A_51 = arith.addi %scan3A_49, %scan3A_50 : i32
      %scan3A_52 = arith.constant 1 : i32
      scf.for %scan3A_67 = %scan3A_49 to %scan3A_51 step %scan3A_52  : i32 {
        %mul3A_68 = arith.constant 1 : i32
        %mul3A_69 = arith.muli %scan3A_67, %mul3A_68 : i32
        %add3A_70 = arith.constant 0 : i32
        %add3A_71 = arith.addi %add3A_70, %mul3A_69 : i32
        %broadcast_in_dim3A_72 = arith.constant 0.000000e+00 : f32
        %broadcast_in_dim3A_73 = vector.broadcast %broadcast_in_dim3A_72 : f32 to vector<1x16xf32>
        %mul3A_74 = arith.constant 16 : i32
        %mul3A_75 = arith.muli %add3A_71, %mul3A_74 : i32
        %swap3A_76 = arith.index_cast %add3A_48 : i32 to index
        %swap3A_77 = arith.index_cast %mul3A_75 : i32 to index
        %swap3A_78 = tpu.vector_load %arg15[%swap3A_76, %swap3A_77] {strides = array<i32>} : memref<128x64xf32, #tpu.memory_space<vmem>>, vector<1x16xf32>,
        %swap3A_79 = vector.shape_cast %swap3A_78 : vector<1x16xf32> to vector<1x16xf32>
        %swap3A_80 = vector.shape_cast %broadcast_in_dim3A_73 : vector<1x16xf32> to vector<1x16xf32>
        tpu.vector_store %arg15[%swap3A_76, %swap3A_77], %swap3A_80 {strides = array<i32>} : memref<128x64xf32, #tpu.memory_space<vmem>>, vector<1x16xf32>,
      }
      %scan3A_53 = arith.constant 4 : i32
      %broadcast_in_dim3A_54 = arith.constant 0.000000e+00 : f32
      %broadcast_in_dim3A_55 = vector.broadcast %broadcast_in_dim3A_54 : f32 to vector<1x16xf32>
      %swap3A = arith.index_cast %add3A_48 : i32 to index
      %swap3A_56 = arith.constant 0 : index
      %swap3A_57 = tpu.vector_load %arg16[%swap3A, %swap3A_56] {strides = array<i32>} : memref<128x16xf32, #tpu.memory_space<vmem>>, vector<1x16xf32>,
      %swap3A_58 = vector.shape_cast %swap3A_57 : vector<1x16xf32> to vector<1x16xf32>
      %swap3A_59 = vector.shape_cast %broadcast_in_dim3A_55 : vector<1x16xf32> to vector<1x16xf32>
      tpu.vector_store %arg16[%swap3A, %swap3A_56], %swap3A_59 {strides = array<i32>} : memref<128x16xf32, #tpu.memory_space<vmem>>, vector<1x16xf32>,
      %broadcast_in_dim3A_60 = arith.constant 1.000000e+00 : f32
      %broadcast_in_dim3A_61 = vector.broadcast %broadcast_in_dim3A_60 : f32 to vector<1x16xf32>
      %swap3A_62 = arith.index_cast %add3A_48 : i32 to index
      %swap3A_63 = arith.constant 0 : index
      %swap3A_64 = tpu.vector_load %arg14[%swap3A_62, %swap3A_63] {strides = array<i32>} : memref<128x16xf32, #tpu.memory_space<vmem>>, vector<1x16xf32>,
      %swap3A_65 = vector.shape_cast %swap3A_64 : vector<1x16xf32> to vector<1x16xf32>
      %swap3A_66 = vector.shape_cast %broadcast_in_dim3A_61 : vector<1x16xf32> to vector<1x16xf32>
      tpu.vector_store %arg14[%swap3A_62, %swap3A_63], %swap3A_66 {strides = array<i32>} : memref<128x16xf32, #tpu.memory_space<vmem>>, vector<1x16xf32>,
    }
    %scan3A_4 = arith.constant 128 : i32
    %scan3A_5 = arith.constant 0 : i32
    %scan3A_6 = arith.constant 5 : i32
    %scan3A_7 = arith.addi %scan3A_5, %scan3A_6 : i32
    %scan3A_8 = arith.constant 1 : i32
    scf.for %scan3A_44 = %scan3A_5 to %scan3A_7 step %scan3A_8  : i32 {
      %mul3A_45 = arith.constant 1 : i32
      %mul3A_46 = arith.muli %scan3A_44, %mul3A_45 : i32
      %add3A_47 = arith.constant 0 : i32
      %add3A_48 = arith.addi %add3A_47, %mul3A_46 : i32
      %mul3A_49 = arith.constant 640 : i32
      %mul3A_50 = arith.muli %arg1, %mul3A_49 : i32
      %mul3A_51 = arith.constant 128 : i32
      %mul3A_52 = arith.muli %add3A_48, %mul3A_51 : i32
      %add3A_53 = arith.addi %mul3A_50, %mul3A_52 : i32
      "tpu.region"() ({
        %run_scoped3A = tpu.sem_alloc : memref<!tpu.dma_semaphore, #tpu.memory_space<semaphore_mem>>
        %dma_start3A_54 = arith.constant 0 : i32
        %dma_start3A_55 = tpu.memref_slice %arg17[%add3A_53, %dma_start3A_54] : memref<10240x64xf32, #tpu.memory_space<vmem_shared>> -> memref<128x64xf32, #tpu.memory_space<vmem_shared>>
        %dma_start3A_56 = arith.constant 0 : i32
        %dma_start3A_57 = tpu.memref_slice %arg17[%add3A_53, %dma_start3A_56] : memref<10240x64xf32, #tpu.memory_space<vmem_shared>> -> memref<128x64xf32, #tpu.memory_space<vmem_shared>>
        tpu.enqueue_dma source(%arg15 : memref<128x64xf32, #tpu.memory_space<vmem>>) target(%dma_start3A_57 : memref<128x64xf32, #tpu.memory_space<vmem_shared>>) target_semaphore(%run_scoped3A : memref<!tpu.dma_semaphore, #tpu.memory_space<semaphore_mem>>)
        %dma_wait3A = arith.constant 0 : i32
        %dma_wait3A_58 = tpu.memref_slice %arg17[%add3A_53, %dma_wait3A] : memref<10240x64xf32, #tpu.memory_space<vmem_shared>> -> memref<128x64xf32, #tpu.memory_space<vmem_shared>>
        %dma_wait3A_59 = arith.constant 0 : i32
        %dma_wait3A_60 = tpu.memref_slice %arg17[%add3A_53, %dma_wait3A_59] : memref<10240x64xf32, #tpu.memory_space<vmem_shared>> -> memref<128x64xf32, #tpu.memory_space<vmem_shared>>
        tpu.wait_dma2 semaphore(%run_scoped3A : memref<!tpu.dma_semaphore, #tpu.memory_space<semaphore_mem>>) src(%arg15 : memref<128x64xf32, #tpu.memory_space<vmem>>) dst(%dma_wait3A_60 : memref<128x64xf32, #tpu.memory_space<vmem_shared>>)
        tpu.yield
      }) : () -> ()
      "tpu.region"() ({
        %run_scoped3A = tpu.sem_alloc : memref<!tpu.dma_semaphore, #tpu.memory_space<semaphore_mem>>
        %dma_start3A_54 = arith.constant 0 : i32
        %dma_start3A_55 = tpu.memref_slice %arg18[%add3A_53, %dma_start3A_54] : memref<10240x16xf32, #tpu.memory_space<vmem_shared>> -> memref<128x16xf32, #tpu.memory_space<vmem_shared>>
        %dma_start3A_56 = arith.constant 0 : i32
        %dma_start3A_57 = tpu.memref_slice %arg18[%add3A_53, %dma_start3A_56] : memref<10240x16xf32, #tpu.memory_space<vmem_shared>> -> memref<128x16xf32, #tpu.memory_space<vmem_shared>>
        tpu.enqueue_dma source(%arg16 : memref<128x16xf32, #tpu.memory_space<vmem>>) target(%dma_start3A_57 : memref<128x16xf32, #tpu.memory_space<vmem_shared>>) target_semaphore(%run_scoped3A : memref<!tpu.dma_semaphore, #tpu.memory_space<semaphore_mem>>)
        %dma_wait3A = arith.constant 0 : i32
        %dma_wait3A_58 = tpu.memref_slice %arg18[%add3A_53, %dma_wait3A] : memref<10240x16xf32, #tpu.memory_space<vmem_shared>> -> memref<128x16xf32, #tpu.memory_space<vmem_shared>>
        %dma_wait3A_59 = arith.constant 0 : i32
        %dma_wait3A_60 = tpu.memref_slice %arg18[%add3A_53, %dma_wait3A_59] : memref<10240x16xf32, #tpu.memory_space<vmem_shared>> -> memref<128x16xf32, #tpu.memory_space<vmem_shared>>
        tpu.wait_dma2 semaphore(%run_scoped3A : memref<!tpu.dma_semaphore, #tpu.memory_space<semaphore_mem>>) src(%arg16 : memref<128x16xf32, #tpu.memory_space<vmem>>) dst(%dma_wait3A_60 : memref<128x16xf32, #tpu.memory_space<vmem_shared>>)
        tpu.yield
      }) : () -> ()
    }
    %scan3A_9 = arith.constant 5 : i32
    %mul3A = arith.constant 158 : i32
    %mul3A_10 = arith.muli %arg1, %mul3A : i32
    "tpu.region"() ({
      %run_scoped3A = tpu.sem_alloc : memref<!tpu.dma_semaphore, #tpu.memory_space<semaphore_mem>>
      %dma_start3A_44 = arith.constant 0 : i32
      %dma_start3A_45 = tpu.memref_slice %arg4[%mul3A_10, %dma_start3A_44] : memref<2528x128xi32, #tpu.memory_space<hbm>> -> memref<158x128xi32, #tpu.memory_space<hbm>>
      %dma_start3A_46 = arith.constant 0 : i32
      %dma_start3A_47 = tpu.memref_slice %arg4[%mul3A_10, %dma_start3A_46] : memref<2528x128xi32, #tpu.memory_space<hbm>> -> memref<158x128xi32, #tpu.memory_space<hbm>>
      tpu.enqueue_dma source(%dma_start3A_47 : memref<158x128xi32, #tpu.memory_space<hbm>>) target(%arg8 : memref<158x128xi32, #tpu.memory_space<vmem>>) target_semaphore(%run_scoped3A : memref<!tpu.dma_semaphore, #tpu.memory_space<semaphore_mem>>)
      %dma_wait3A = arith.constant 0 : i32
      %dma_wait3A_48 = tpu.memref_slice %arg4[%mul3A_10, %dma_wait3A] : memref<2528x128xi32, #tpu.memory_space<hbm>> -> memref<158x128xi32, #tpu.memory_space<hbm>>
      %dma_wait3A_49 = arith.constant 0 : i32
      %dma_wait3A_50 = tpu.memref_slice %arg4[%mul3A_10, %dma_wait3A_49] : memref<2528x128xi32, #tpu.memory_space<hbm>> -> memref<158x128xi32, #tpu.memory_space<hbm>>
      tpu.wait_dma2 semaphore(%run_scoped3A : memref<!tpu.dma_semaphore, #tpu.memory_space<semaphore_mem>>) src(%dma_wait3A_50 : memref<158x128xi32, #tpu.memory_space<hbm>>) dst(%arg8 : memref<158x128xi32, #tpu.memory_space<vmem>>)
      tpu.yield
    }) : () -> ()
    %mul3A_11 = arith.constant 158 : i32
    %mul3A_12 = arith.muli %arg1, %mul3A_11 : i32
    "tpu.region"() ({
      %run_scoped3A = tpu.sem_alloc : memref<!tpu.dma_semaphore, #tpu.memory_space<semaphore_mem>>
      %dma_start3A_44 = arith.constant 0 : i32
      %dma_start3A_45 = tpu.memref_slice %arg5[%mul3A_12, %dma_start3A_44] : memref<2528x128xi32, #tpu.memory_space<hbm>> -> memref<158x128xi32, #tpu.memory_space<hbm>>
      %dma_start3A_46 = arith.constant 0 : i32
      %dma_start3A_47 = tpu.memref_slice %arg5[%mul3A_12, %dma_start3A_46] : memref<2528x128xi32, #tpu.memory_space<hbm>> -> memref<158x128xi32, #tpu.memory_space<hbm>>
      tpu.enqueue_dma source(%dma_start3A_47 : memref<158x128xi32, #tpu.memory_space<hbm>>) target(%arg9 : memref<158x128xi32, #tpu.memory_space<vmem>>) target_semaphore(%run_scoped3A : memref<!tpu.dma_semaphore, #tpu.memory_space<semaphore_mem>>)
      %dma_wait3A = arith.constant 0 : i32
      %dma_wait3A_48 = tpu.memref_slice %arg5[%mul3A_12, %dma_wait3A] : memref<2528x128xi32, #tpu.memory_space<hbm>> -> memref<158x128xi32, #tpu.memory_space<hbm>>
      %dma_wait3A_49 = arith.constant 0 : i32
      %dma_wait3A_50 = tpu.memref_slice %arg5[%mul3A_12, %dma_wait3A_49] : memref<2528x128xi32, #tpu.memory_space<hbm>> -> memref<158x128xi32, #tpu.memory_space<hbm>>
      tpu.wait_dma2 semaphore(%run_scoped3A : memref<!tpu.dma_semaphore, #tpu.memory_space<semaphore_mem>>) src(%dma_wait3A_50 : memref<158x128xi32, #tpu.memory_space<hbm>>) dst(%arg9 : memref<158x128xi32, #tpu.memory_space<vmem>>)
      tpu.yield
    }) : () -> ()
    %broadcast_in_dim3A = arith.constant 0 : i32
    %broadcast_in_dim3A_13 = vector.broadcast %broadcast_in_dim3A : i32 to vector<1x16xi32>
    %add3A = vector.broadcast %arg0 : i32 to vector<1x16xi32>
    %add3A_14 = arith.addi %broadcast_in_dim3A_13, %add3A : vector<1x16xi32>
    %scan3A_15 = arith.constant 0 : i32
    %scan3A_16 = arith.constant 158 : i32
    %scan3A_17 = arith.addi %scan3A_15, %scan3A_16 : i32
    %scan3A_18 = arith.constant 1 : i32
    scf.for %scan3A_44 = %scan3A_15 to %scan3A_17 step %scan3A_18  : i32 {
      %mul3A_45 = arith.constant 1 : i32
      %mul3A_46 = arith.muli %scan3A_44, %mul3A_45 : i32
      %add3A_47 = arith.constant 0 : i32
      %add3A_48 = arith.addi %add3A_47, %mul3A_46 : i32
      %scan3A_49 = arith.constant 0 : i32
      %scan3A_50 = arith.constant 8 : i32
      %scan3A_51 = arith.addi %scan3A_49, %scan3A_50 : i32
      %scan3A_52 = arith.constant 1 : i32
      scf.for %scan3A_54 = %scan3A_49 to %scan3A_51 step %scan3A_52  : i32 {
        %mul3A_55 = arith.constant 1 : i32
        %mul3A_56 = arith.muli %scan3A_54, %mul3A_55 : i32
        %add3A_57 = arith.constant 0 : i32
        %add3A_58 = arith.addi %add3A_57, %mul3A_56 : i32
        %mul3A_59 = arith.constant 16 : i32
        %mul3A_60 = arith.muli %add3A_58, %mul3A_59 : i32
        %get3A = arith.index_cast %add3A_48 : i32 to index
        %get3A_61 = arith.index_cast %mul3A_60 : i32 to index
        %get3A_62 = tpu.vector_load %arg8[%get3A, %get3A_61] {strides = array<i32>} : memref<158x128xi32, #tpu.memory_space<vmem>>, vector<1x16xi32>,
        %get3A_63 = vector.shape_cast %get3A_62 : vector<1x16xi32> to vector<1x16xi32>
        %mul3A_64 = arith.constant 2 : i32
        %mul3A_65 = vector.broadcast %mul3A_64 : i32 to vector<1x16xi32>
        %mul3A_66 = arith.muli %get3A_63, %mul3A_65 : vector<1x16xi32>
        %add3A_67 = arith.addi %mul3A_66, %add3A_14 : vector<1x16xi32>
        %swap3A = arith.index_cast %add3A_48 : i32 to index
        %swap3A_68 = arith.index_cast %mul3A_60 : i32 to index
        %swap3A_69 = tpu.vector_load %arg8[%swap3A, %swap3A_68] {strides = array<i32>} : memref<158x128xi32, #tpu.memory_space<vmem>>, vector<1x16xi32>,
        %swap3A_70 = vector.shape_cast %swap3A_69 : vector<1x16xi32> to vector<1x16xi32>
        %swap3A_71 = vector.shape_cast %add3A_67 : vector<1x16xi32> to vector<1x16xi32>
        tpu.vector_store %arg8[%swap3A, %swap3A_68], %swap3A_71 {strides = array<i32>} : memref<158x128xi32, #tpu.memory_space<vmem>>, vector<1x16xi32>,
      }
      %scan3A_53 = arith.constant 8 : i32
    }
    %scan3A_19 = arith.constant 158 : i32
    %barrier3A = arith.constant 0 : index
    tpu.barrier barrier_id(%barrier3A)
    %mul3A_20 = arith.constant 158 : i32
    %mul3A_21 = arith.muli %arg1, %mul3A_20 : i32
    %mul3A_22 = arith.constant 128 : i32
    %mul3A_23 = arith.muli %mul3A_21, %mul3A_22 : i32
    %dma_start3A = arith.constant 0 : i32
    %dma_start3A_24 = arith.constant 0 : i32
    %dma_start3A_25 = tpu.memref_slice %arg8[%dma_start3A, %dma_start3A_24] : memref<158x128xi32, #tpu.memory_space<vmem>> -> memref<1x128xi32, #tpu.memory_space<vmem>>
    %dma_start3A_26 = tpu.memref_squeeze %dma_start3A_25 : memref<1x128xi32, #tpu.memory_space<vmem>> -> memref<128xi32, #tpu.memory_space<vmem>>
    %dma_start3A_27 = arith.constant 0 : i32
    %dma_start3A_28 = arith.constant 0 : i32
    %dma_start3A_29 = tpu.memref_slice %arg2[%dma_start3A_27, %dma_start3A_28] : memref<20000x64xf32, #tpu.memory_space<hbm>> -> memref<20000x64xf32, #tpu.memory_space<hbm>>
    tpu.enqueue_indirect_dma source(%dma_start3A_29 : memref<20000x64xf32, #tpu.memory_space<hbm>>) target(%arg10 : memref<128x64xf32, #tpu.memory_space<vmem>>) offsets(%dma_start3A_26 : memref<128xi32, #tpu.memory_space<vmem>>) semaphore(%arg19 : memref<!tpu.dma_semaphore, #tpu.memory_space<semaphore_mem>>)
    %add3A_30 = arith.constant 0 : i32
    %add3A_31 = arith.addi %mul3A_23, %add3A_30 : i32
    %add3A_32 = arith.constant 128 : i32
    %add3A_33 = arith.addi %add3A_31, %add3A_32 : i32
    %le3A = arith.constant 320000 : i32
    %le3A_34 = arith.cmpi sle, %add3A_33, %le3A : i32
    %and3A = arith.andi %eq3A_0, %le3A_34 : i1
    %convert_element_type3A = arith.extui %and3A : i1 to i32
    %cond3A = arith.constant 0 : i32
    %cond3A_35 = arith.cmpi ne, %convert_element_type3A, %cond3A : i32
    scf.if %cond3A_35 {
      %add3A_44 = arith.constant 0 : i32
      %add3A_45 = arith.addi %mul3A_23, %add3A_44 : i32
      %dma_start3A_46 = arith.constant 0 : i32
      %dma_start3A_47 = tpu.memref_slice %arg3[%add3A_45, %dma_start3A_46] : memref<320000x16xf32, #tpu.memory_space<hbm>> -> memref<128x16xf32, #tpu.memory_space<hbm>>
      %dma_start3A_48 = arith.constant 0 : i32
      %dma_start3A_49 = tpu.memref_slice %arg3[%add3A_45, %dma_start3A_48] : memref<320000x16xf32, #tpu.memory_space<hbm>> -> memref<128x16xf32, #tpu.memory_space<hbm>>
      tpu.enqueue_dma source(%dma_start3A_49 : memref<128x16xf32, #tpu.memory_space<hbm>>) target(%arg12 : memref<128x16xf32, #tpu.memory_space<vmem>>) target_semaphore(%arg19 : memref<!tpu.dma_semaphore, #tpu.memory_space<semaphore_mem>>)
    } else {
    }
    %scan3A_36 = arith.constant 0 : i32
    %scan3A_37 = arith.constant 79 : i32
    %scan3A_38 = arith.addi %scan3A_36, %scan3A_37 : i32
    %scan3A_39 = arith.constant 1 : i32
    scf.for %scan3A_44 = %scan3A_36 to %scan3A_38 step %scan3A_39  : i32 {
      %mul3A_45 = arith.constant 1 : i32
      %mul3A_46 = arith.muli %scan3A_44, %mul3A_45 : i32
      %add3A_47 = arith.constant 0 : i32
      %add3A_48 = arith.addi %add3A_47, %mul3A_46 : i32
      %mul3A_49 = arith.constant 2 : i32
      %mul3A_50 = arith.muli %mul3A_49, %add3A_48 : i32
      %add3A_51 = arith.constant 1 : i32
      %add3A_52 = arith.addi %mul3A_50, %add3A_51 : i32
      %dma_start3A_53 = arith.constant 0 : i32
      %dma_start3A_54 = tpu.memref_slice %arg8[%add3A_52, %dma_start3A_53] : memref<158x128xi32, #tpu.memory_space<vmem>> -> memref<1x128xi32, #tpu.memory_space<vmem>>
      %dma_start3A_55 = tpu.memref_squeeze %dma_start3A_54 : memref<1x128xi32, #tpu.memory_space<vmem>> -> memref<128xi32, #tpu.memory_space<vmem>>
      %dma_start3A_56 = arith.constant 0 : i32
      %dma_start3A_57 = arith.constant 0 : i32
      %dma_start3A_58 = tpu.memref_slice %arg2[%dma_start3A_56, %dma_start3A_57] : memref<20000x64xf32, #tpu.memory_space<hbm>> -> memref<20000x64xf32, #tpu.memory_space<hbm>>
      tpu.enqueue_indirect_dma source(%dma_start3A_58 : memref<20000x64xf32, #tpu.memory_space<hbm>>) target(%arg11 : memref<128x64xf32, #tpu.memory_space<vmem>>) offsets(%dma_start3A_55 : memref<128xi32, #tpu.memory_space<vmem>>) semaphore(%arg20 : memref<!tpu.dma_semaphore, #tpu.memory_space<semaphore_mem>>)
      %mul3A_59 = arith.constant 128 : i32
      %mul3A_60 = arith.muli %add3A_52, %mul3A_59 : i32
      %add3A_61 = arith.addi %mul3A_23, %mul3A_60 : i32
      %add3A_62 = arith.constant 128 : i32
      %add3A_63 = arith.addi %add3A_61, %add3A_62 : i32
      %le3A_64 = arith.constant 320000 : i32
      %le3A_65 = arith.cmpi sle, %add3A_63, %le3A_64 : i32
      %and3A_66 = arith.andi %eq3A_0, %le3A_65 : i1
      %convert_element_type3A_67 = arith.extui %and3A_66 : i1 to i32
      %cond3A_68 = arith.constant 0 : i32
      %cond3A_69 = arith.cmpi ne, %convert_element_type3A_67, %cond3A_68 : i32
      scf.if %cond3A_69 {
        %mul3A_194 = arith.constant 128 : i32
        %mul3A_195 = arith.muli %add3A_52, %mul3A_194 : i32
        %add3A_196 = arith.addi %mul3A_23, %mul3A_195 : i32
        %dma_start3A_197 = arith.constant 0 : i32
        %dma_start3A_198 = tpu.memref_slice %arg3[%add3A_196, %dma_start3A_197] : memref<320000x16xf32, #tpu.memory_space<hbm>> -> memref<128x16xf32, #tpu.memory_space<hbm>>
        %dma_start3A_199 = arith.constant 0 : i32
        %dma_start3A_200 = tpu.memref_slice %arg3[%add3A_196, %dma_start3A_199] : memref<320000x16xf32, #tpu.memory_space<hbm>> -> memref<128x16xf32, #tpu.memory_space<hbm>>
        tpu.enqueue_dma source(%dma_start3A_200 : memref<128x16xf32, #tpu.memory_space<hbm>>) target(%arg13 : memref<128x16xf32, #tpu.memory_space<vmem>>) target_semaphore(%arg20 : memref<!tpu.dma_semaphore, #tpu.memory_space<semaphore_mem>>)
      } else {
      }
      %dma_wait3A = arith.constant 0 : i32
      %dma_wait3A_70 = tpu.memref_slice %arg8[%mul3A_50, %dma_wait3A] : memref<158x128xi32, #tpu.memory_space<vmem>> -> memref<1x128xi32, #tpu.memory_space<vmem>>
      %dma_wait3A_71 = tpu.memref_squeeze %dma_wait3A_70 : memref<1x128xi32, #tpu.memory_space<vmem>> -> memref<128xi32, #tpu.memory_space<vmem>>
      %dma_wait3A_72 = arith.constant 0 : i32
      %dma_wait3A_73 = arith.constant 0 : i32
      %dma_wait3A_74 = tpu.memref_slice %arg2[%dma_wait3A_72, %dma_wait3A_73] : memref<20000x64xf32, #tpu.memory_space<hbm>> -> memref<20000x64xf32, #tpu.memory_space<hbm>>
      tpu.wait_indirect_dma semaphore(%arg19 : memref<!tpu.dma_semaphore, #tpu.memory_space<semaphore_mem>>) src(%dma_wait3A_74 : memref<20000x64xf32, #tpu.memory_space<hbm>>) dst(%arg10 : memref<128x64xf32, #tpu.memory_space<vmem>>)
      %mul3A_75 = arith.constant 128 : i32
      %mul3A_76 = arith.muli %mul3A_50, %mul3A_75 : i32
      %add3A_77 = arith.addi %mul3A_23, %mul3A_76 : i32
      %add3A_78 = arith.constant 128 : i32
      %add3A_79 = arith.addi %add3A_77, %add3A_78 : i32
      %le3A_80 = arith.constant 320000 : i32
      %le3A_81 = arith.cmpi sle, %add3A_79, %le3A_80 : i32
      %and3A_82 = arith.andi %eq3A_0, %le3A_81 : i1
      %convert_element_type3A_83 = arith.extui %and3A_82 : i1 to i32
      %cond3A_84 = arith.constant 0 : i32
      %cond3A_85 = arith.cmpi ne, %convert_element_type3A_83, %cond3A_84 : i32
      scf.if %cond3A_85 {
        %mul3A_194 = arith.constant 128 : i32
        %mul3A_195 = arith.muli %mul3A_50, %mul3A_194 : i32
        %add3A_196 = arith.addi %mul3A_23, %mul3A_195 : i32
        %dma_wait3A_197 = arith.constant 0 : i32
        %dma_wait3A_198 = tpu.memref_slice %arg3[%add3A_196, %dma_wait3A_197] : memref<320000x16xf32, #tpu.memory_space<hbm>> -> memref<128x16xf32, #tpu.memory_space<hbm>>
        %dma_wait3A_199 = arith.constant 0 : i32
        %dma_wait3A_200 = tpu.memref_slice %arg3[%add3A_196, %dma_wait3A_199] : memref<320000x16xf32, #tpu.memory_space<hbm>> -> memref<128x16xf32, #tpu.memory_space<hbm>>
        tpu.wait_dma2 semaphore(%arg19 : memref<!tpu.dma_semaphore, #tpu.memory_space<semaphore_mem>>) src(%dma_wait3A_200 : memref<128x16xf32, #tpu.memory_space<hbm>>) dst(%arg12 : memref<128x16xf32, #tpu.memory_space<vmem>>)
      } else {
      }
      %dma_start3A_86 = arith.constant 0 : i32
      %dma_start3A_87 = tpu.memref_slice %arg9[%mul3A_50, %dma_start3A_86] : memref<158x128xi32, #tpu.memory_space<vmem>> -> memref<1x128xi32, #tpu.memory_space<vmem>>
      %dma_start3A_88 = tpu.memref_squeeze %dma_start3A_87 : memref<1x128xi32, #tpu.memory_space<vmem>> -> memref<128xi32, #tpu.memory_space<vmem>>
      %dma_start3A_89 = arith.constant 0 : i32
      %dma_start3A_90 = arith.constant 0 : i32
      %dma_start3A_91 = tpu.memref_slice %arg17[%dma_start3A_89, %dma_start3A_90] : memref<10240x64xf32, #tpu.memory_space<vmem_shared>> -> memref<10240x64xf32, #tpu.memory_space<vmem_shared>>
      tpu.enqueue_indirect_dma source(%arg10 : memref<128x64xf32, #tpu.memory_space<vmem>>) target(%dma_start3A_91 : memref<10240x64xf32, #tpu.memory_space<vmem_shared>>) offsets(%dma_start3A_88 : memref<128xi32, #tpu.memory_space<vmem>>) semaphore(%arg21 : memref<!tpu.dma_semaphore, #tpu.memory_space<semaphore_mem>>) {add = true}
      %mul3A_92 = arith.constant 128 : i32
      %mul3A_93 = arith.muli %mul3A_50, %mul3A_92 : i32
      %add3A_94 = arith.addi %mul3A_23, %mul3A_93 : i32
      %add3A_95 = arith.constant 128 : i32
      %add3A_96 = arith.addi %add3A_94, %add3A_95 : i32
      %le3A_97 = arith.constant 320000 : i32
      %le3A_98 = arith.cmpi sle, %add3A_96, %le3A_97 : i32
      %and3A_99 = arith.andi %eq3A_0, %le3A_98 : i1
      %convert_element_type3A_100 = arith.extui %and3A_99 : i1 to i32
      %cond3A_101 = arith.constant 0 : i32
      %cond3A_102 = arith.cmpi ne, %convert_element_type3A_100, %cond3A_101 : i32
      scf.if %cond3A_102 {
        %dma_start3A_194 = arith.constant 0 : i32
        %dma_start3A_195 = tpu.memref_slice %arg9[%mul3A_50, %dma_start3A_194] : memref<158x128xi32, #tpu.memory_space<vmem>> -> memref<1x128xi32, #tpu.memory_space<vmem>>
        %dma_start3A_196 = tpu.memref_squeeze %dma_start3A_195 : memref<1x128xi32, #tpu.memory_space<vmem>> -> memref<128xi32, #tpu.memory_space<vmem>>
        %dma_start3A_197 = arith.constant 0 : i32
        %dma_start3A_198 = arith.constant 0 : i32
        %dma_start3A_199 = tpu.memref_slice %arg18[%dma_start3A_197, %dma_start3A_198] : memref<10240x16xf32, #tpu.memory_space<vmem_shared>> -> memref<10240x16xf32, #tpu.memory_space<vmem_shared>>
        tpu.enqueue_indirect_dma source(%arg12 : memref<128x16xf32, #tpu.memory_space<vmem>>) target(%dma_start3A_199 : memref<10240x16xf32, #tpu.memory_space<vmem_shared>>) offsets(%dma_start3A_196 : memref<128xi32, #tpu.memory_space<vmem>>) semaphore(%arg21 : memref<!tpu.dma_semaphore, #tpu.memory_space<semaphore_mem>>) {add = true}
      } else {
      }
      %not3A = arith.constant true
      %not3A_103 = arith.xori %eq3A_0, %not3A : i1
      %convert_element_type3A_104 = arith.extui %not3A_103 : i1 to i32
      %cond3A_105 = arith.constant 0 : i32
      %cond3A_106 = arith.cmpi ne, %convert_element_type3A_104, %cond3A_105 : i32
      scf.if %cond3A_106 {
        %dma_start3A_194 = arith.constant 0 : i32
        %dma_start3A_195 = tpu.memref_slice %arg9[%mul3A_50, %dma_start3A_194] : memref<158x128xi32, #tpu.memory_space<vmem>> -> memref<1x128xi32, #tpu.memory_space<vmem>>
        %dma_start3A_196 = tpu.memref_squeeze %dma_start3A_195 : memref<1x128xi32, #tpu.memory_space<vmem>> -> memref<128xi32, #tpu.memory_space<vmem>>
        %dma_start3A_197 = arith.constant 0 : i32
        %dma_start3A_198 = arith.constant 0 : i32
        %dma_start3A_199 = tpu.memref_slice %arg18[%dma_start3A_197, %dma_start3A_198] : memref<10240x16xf32, #tpu.memory_space<vmem_shared>> -> memref<10240x16xf32, #tpu.memory_space<vmem_shared>>
        tpu.enqueue_indirect_dma source(%arg14 : memref<128x16xf32, #tpu.memory_space<vmem>>) target(%dma_start3A_199 : memref<10240x16xf32, #tpu.memory_space<vmem_shared>>) offsets(%dma_start3A_196 : memref<128xi32, #tpu.memory_space<vmem>>) semaphore(%arg21 : memref<!tpu.dma_semaphore, #tpu.memory_space<semaphore_mem>>) {add = true}
      } else {
      }
      %dma_wait3A_107 = arith.constant 0 : i32
      %dma_wait3A_108 = tpu.memref_slice %arg9[%mul3A_50, %dma_wait3A_107] : memref<158x128xi32, #tpu.memory_space<vmem>> -> memref<1x128xi32, #tpu.memory_space<vmem>>
      %dma_wait3A_109 = tpu.memref_squeeze %dma_wait3A_108 : memref<1x128xi32, #tpu.memory_space<vmem>> -> memref<128xi32, #tpu.memory_space<vmem>>
      %dma_wait3A_110 = arith.constant 0 : i32
      %dma_wait3A_111 = arith.constant 0 : i32
      %dma_wait3A_112 = tpu.memref_slice %arg17[%dma_wait3A_110, %dma_wait3A_111] : memref<10240x64xf32, #tpu.memory_space<vmem_shared>> -> memref<10240x64xf32, #tpu.memory_space<vmem_shared>>
      tpu.wait_indirect_dma semaphore(%arg21 : memref<!tpu.dma_semaphore, #tpu.memory_space<semaphore_mem>>) src(%arg10 : memref<128x64xf32, #tpu.memory_space<vmem>>) dst(%dma_wait3A_112 : memref<10240x64xf32, #tpu.memory_space<vmem_shared>>)
      %mul3A_113 = arith.constant 128 : i32
      %mul3A_114 = arith.muli %mul3A_50, %mul3A_113 : i32
      %add3A_115 = arith.addi %mul3A_23, %mul3A_114 : i32
      %add3A_116 = arith.constant 128 : i32
      %add3A_117 = arith.addi %add3A_115, %add3A_116 : i32
      %le3A_118 = arith.constant 320000 : i32
      %le3A_119 = arith.cmpi sle, %add3A_117, %le3A_118 : i32
      %and3A_120 = arith.andi %eq3A_0, %le3A_119 : i1
      %convert_element_type3A_121 = arith.extui %and3A_120 : i1 to i32
      %cond3A_122 = arith.constant 0 : i32
      %cond3A_123 = arith.cmpi ne, %convert_element_type3A_121, %cond3A_122 : i32
      scf.if %cond3A_123 {
        %dma_wait3A_194 = arith.constant 0 : i32
        %dma_wait3A_195 = tpu.memref_slice %arg9[%mul3A_50, %dma_wait3A_194] : memref<158x128xi32, #tpu.memory_space<vmem>> -> memref<1x128xi32, #tpu.memory_space<vmem>>
        %dma_wait3A_196 = tpu.memref_squeeze %dma_wait3A_195 : memref<1x128xi32, #tpu.memory_space<vmem>> -> memref<128xi32, #tpu.memory_space<vmem>>
        %dma_wait3A_197 = arith.constant 0 : i32
        %dma_wait3A_198 = arith.constant 0 : i32
        %dma_wait3A_199 = tpu.memref_slice %arg18[%dma_wait3A_197, %dma_wait3A_198] : memref<10240x16xf32, #tpu.memory_space<vmem_shared>> -> memref<10240x16xf32, #tpu.memory_space<vmem_shared>>
        tpu.wait_indirect_dma semaphore(%arg21 : memref<!tpu.dma_semaphore, #tpu.memory_space<semaphore_mem>>) src(%arg12 : memref<128x16xf32, #tpu.memory_space<vmem>>) dst(%dma_wait3A_199 : memref<10240x16xf32, #tpu.memory_space<vmem_shared>>)
      } else {
      }
      %not3A_124 = arith.constant true
      %not3A_125 = arith.xori %eq3A_0, %not3A_124 : i1
      %convert_element_type3A_126 = arith.extui %not3A_125 : i1 to i32
      %cond3A_127 = arith.constant 0 : i32
      %cond3A_128 = arith.cmpi ne, %convert_element_type3A_126, %cond3A_127 : i32
      scf.if %cond3A_128 {
        %dma_wait3A_194 = arith.constant 0 : i32
        %dma_wait3A_195 = tpu.memref_slice %arg9[%mul3A_50, %dma_wait3A_194] : memref<158x128xi32, #tpu.memory_space<vmem>> -> memref<1x128xi32, #tpu.memory_space<vmem>>
        %dma_wait3A_196 = tpu.memref_squeeze %dma_wait3A_195 : memref<1x128xi32, #tpu.memory_space<vmem>> -> memref<128xi32, #tpu.memory_space<vmem>>
        %dma_wait3A_197 = arith.constant 0 : i32
        %dma_wait3A_198 = arith.constant 0 : i32
        %dma_wait3A_199 = tpu.memref_slice %arg18[%dma_wait3A_197, %dma_wait3A_198] : memref<10240x16xf32, #tpu.memory_space<vmem_shared>> -> memref<10240x16xf32, #tpu.memory_space<vmem_shared>>
        tpu.wait_indirect_dma semaphore(%arg21 : memref<!tpu.dma_semaphore, #tpu.memory_space<semaphore_mem>>) src(%arg14 : memref<128x16xf32, #tpu.memory_space<vmem>>) dst(%dma_wait3A_199 : memref<10240x16xf32, #tpu.memory_space<vmem_shared>>)
      } else {
      }
      %lt3A = arith.constant 78 : i32
      %lt3A_129 = arith.cmpi slt, %add3A_48, %lt3A : i32
      %convert_element_type3A_130 = arith.extui %lt3A_129 : i1 to i32
      %cond3A_131 = arith.constant 0 : i32
      %cond3A_132 = arith.cmpi ne, %convert_element_type3A_130, %cond3A_131 : i32
      scf.if %cond3A_132 {
        %add3A_194 = arith.constant 2 : i32
        %add3A_195 = arith.addi %mul3A_50, %add3A_194 : i32
        %dma_start3A_196 = arith.constant 0 : i32
        %dma_start3A_197 = tpu.memref_slice %arg8[%add3A_195, %dma_start3A_196] : memref<158x128xi32, #tpu.memory_space<vmem>> -> memref<1x128xi32, #tpu.memory_space<vmem>>
        %dma_start3A_198 = tpu.memref_squeeze %dma_start3A_197 : memref<1x128xi32, #tpu.memory_space<vmem>> -> memref<128xi32, #tpu.memory_space<vmem>>
        %dma_start3A_199 = arith.constant 0 : i32
        %dma_start3A_200 = arith.constant 0 : i32
        %dma_start3A_201 = tpu.memref_slice %arg2[%dma_start3A_199, %dma_start3A_200] : memref<20000x64xf32, #tpu.memory_space<hbm>> -> memref<20000x64xf32, #tpu.memory_space<hbm>>
        tpu.enqueue_indirect_dma source(%dma_start3A_201 : memref<20000x64xf32, #tpu.memory_space<hbm>>) target(%arg10 : memref<128x64xf32, #tpu.memory_space<vmem>>) offsets(%dma_start3A_198 : memref<128xi32, #tpu.memory_space<vmem>>) semaphore(%arg19 : memref<!tpu.dma_semaphore, #tpu.memory_space<semaphore_mem>>)
        %mul3A_202 = arith.constant 128 : i32
        %mul3A_203 = arith.muli %add3A_195, %mul3A_202 : i32
        %add3A_204 = arith.addi %mul3A_23, %mul3A_203 : i32
        %add3A_205 = arith.constant 128 : i32
        %add3A_206 = arith.addi %add3A_204, %add3A_205 : i32
        %le3A_207 = arith.constant 320000 : i32
        %le3A_208 = arith.cmpi sle, %add3A_206, %le3A_207 : i32
        %and3A_209 = arith.andi %eq3A_0, %le3A_208 : i1
        %convert_element_type3A_210 = arith.extui %and3A_209 : i1 to i32
        %cond3A_211 = arith.constant 0 : i32
        %cond3A_212 = arith.cmpi ne, %convert_element_type3A_210, %cond3A_211 : i32
        scf.if %cond3A_212 {
          %mul3A_213 = arith.constant 128 : i32
          %mul3A_214 = arith.muli %add3A_195, %mul3A_213 : i32
          %add3A_215 = arith.addi %mul3A_23, %mul3A_214 : i32
          %dma_start3A_216 = arith.constant 0 : i32
          %dma_start3A_217 = tpu.memref_slice %arg3[%add3A_215, %dma_start3A_216] : memref<320000x16xf32, #tpu.memory_space<hbm>> -> memref<128x16xf32, #tpu.memory_space<hbm>>
          %dma_start3A_218 = arith.constant 0 : i32
          %dma_start3A_219 = tpu.memref_slice %arg3[%add3A_215, %dma_start3A_218] : memref<320000x16xf32, #tpu.memory_space<hbm>> -> memref<128x16xf32, #tpu.memory_space<hbm>>
          tpu.enqueue_dma source(%dma_start3A_219 : memref<128x16xf32, #tpu.memory_space<hbm>>) target(%arg12 : memref<128x16xf32, #tpu.memory_space<vmem>>) target_semaphore(%arg19 : memref<!tpu.dma_semaphore, #tpu.memory_space<semaphore_mem>>)
        } else {
        }
      } else {
      }
      %dma_wait3A_133 = arith.constant 0 : i32
      %dma_wait3A_134 = tpu.memref_slice %arg8[%add3A_52, %dma_wait3A_133] : memref<158x128xi32, #tpu.memory_space<vmem>> -> memref<1x128xi32, #tpu.memory_space<vmem>>
      %dma_wait3A_135 = tpu.memref_squeeze %dma_wait3A_134 : memref<1x128xi32, #tpu.memory_space<vmem>> -> memref<128xi32, #tpu.memory_space<vmem>>
      %dma_wait3A_136 = arith.constant 0 : i32
      %dma_wait3A_137 = arith.constant 0 : i32
      %dma_wait3A_138 = tpu.memref_slice %arg2[%dma_wait3A_136, %dma_wait3A_137] : memref<20000x64xf32, #tpu.memory_space<hbm>> -> memref<20000x64xf32, #tpu.memory_space<hbm>>
      tpu.wait_indirect_dma semaphore(%arg20 : memref<!tpu.dma_semaphore, #tpu.memory_space<semaphore_mem>>) src(%dma_wait3A_138 : memref<20000x64xf32, #tpu.memory_space<hbm>>) dst(%arg11 : memref<128x64xf32, #tpu.memory_space<vmem>>)
      %mul3A_139 = arith.constant 128 : i32
      %mul3A_140 = arith.muli %add3A_52, %mul3A_139 : i32
      %add3A_141 = arith.addi %mul3A_23, %mul3A_140 : i32
      %add3A_142 = arith.constant 128 : i32
      %add3A_143 = arith.addi %add3A_141, %add3A_142 : i32
      %le3A_144 = arith.constant 320000 : i32
      %le3A_145 = arith.cmpi sle, %add3A_143, %le3A_144 : i32
      %and3A_146 = arith.andi %eq3A_0, %le3A_145 : i1
      %convert_element_type3A_147 = arith.extui %and3A_146 : i1 to i32
      %cond3A_148 = arith.constant 0 : i32
      %cond3A_149 = arith.cmpi ne, %convert_element_type3A_147, %cond3A_148 : i32
      scf.if %cond3A_149 {
        %mul3A_194 = arith.constant 128 : i32
        %mul3A_195 = arith.muli %add3A_52, %mul3A_194 : i32
        %add3A_196 = arith.addi %mul3A_23, %mul3A_195 : i32
        %dma_wait3A_197 = arith.constant 0 : i32
        %dma_wait3A_198 = tpu.memref_slice %arg3[%add3A_196, %dma_wait3A_197] : memref<320000x16xf32, #tpu.memory_space<hbm>> -> memref<128x16xf32, #tpu.memory_space<hbm>>
        %dma_wait3A_199 = arith.constant 0 : i32
        %dma_wait3A_200 = tpu.memref_slice %arg3[%add3A_196, %dma_wait3A_199] : memref<320000x16xf32, #tpu.memory_space<hbm>> -> memref<128x16xf32, #tpu.memory_space<hbm>>
        tpu.wait_dma2 semaphore(%arg20 : memref<!tpu.dma_semaphore, #tpu.memory_space<semaphore_mem>>) src(%dma_wait3A_200 : memref<128x16xf32, #tpu.memory_space<hbm>>) dst(%arg13 : memref<128x16xf32, #tpu.memory_space<vmem>>)
      } else {
      }
      %dma_start3A_150 = arith.constant 0 : i32
      %dma_start3A_151 = tpu.memref_slice %arg9[%add3A_52, %dma_start3A_150] : memref<158x128xi32, #tpu.memory_space<vmem>> -> memref<1x128xi32, #tpu.memory_space<vmem>>
      %dma_start3A_152 = tpu.memref_squeeze %dma_start3A_151 : memref<1x128xi32, #tpu.memory_space<vmem>> -> memref<128xi32, #tpu.memory_space<vmem>>
      %dma_start3A_153 = arith.constant 0 : i32
      %dma_start3A_154 = arith.constant 0 : i32
      %dma_start3A_155 = tpu.memref_slice %arg17[%dma_start3A_153, %dma_start3A_154] : memref<10240x64xf32, #tpu.memory_space<vmem_shared>> -> memref<10240x64xf32, #tpu.memory_space<vmem_shared>>
      tpu.enqueue_indirect_dma source(%arg11 : memref<128x64xf32, #tpu.memory_space<vmem>>) target(%dma_start3A_155 : memref<10240x64xf32, #tpu.memory_space<vmem_shared>>) offsets(%dma_start3A_152 : memref<128xi32, #tpu.memory_space<vmem>>) semaphore(%arg22 : memref<!tpu.dma_semaphore, #tpu.memory_space<semaphore_mem>>) {add = true}
      %mul3A_156 = arith.constant 128 : i32
      %mul3A_157 = arith.muli %add3A_52, %mul3A_156 : i32
      %add3A_158 = arith.addi %mul3A_23, %mul3A_157 : i32
      %add3A_159 = arith.constant 128 : i32
      %add3A_160 = arith.addi %add3A_158, %add3A_159 : i32
      %le3A_161 = arith.constant 320000 : i32
      %le3A_162 = arith.cmpi sle, %add3A_160, %le3A_161 : i32
      %and3A_163 = arith.andi %eq3A_0, %le3A_162 : i1
      %convert_element_type3A_164 = arith.extui %and3A_163 : i1 to i32
      %cond3A_165 = arith.constant 0 : i32
      %cond3A_166 = arith.cmpi ne, %convert_element_type3A_164, %cond3A_165 : i32
      scf.if %cond3A_166 {
        %dma_start3A_194 = arith.constant 0 : i32
        %dma_start3A_195 = tpu.memref_slice %arg9[%add3A_52, %dma_start3A_194] : memref<158x128xi32, #tpu.memory_space<vmem>> -> memref<1x128xi32, #tpu.memory_space<vmem>>
        %dma_start3A_196 = tpu.memref_squeeze %dma_start3A_195 : memref<1x128xi32, #tpu.memory_space<vmem>> -> memref<128xi32, #tpu.memory_space<vmem>>
        %dma_start3A_197 = arith.constant 0 : i32
        %dma_start3A_198 = arith.constant 0 : i32
        %dma_start3A_199 = tpu.memref_slice %arg18[%dma_start3A_197, %dma_start3A_198] : memref<10240x16xf32, #tpu.memory_space<vmem_shared>> -> memref<10240x16xf32, #tpu.memory_space<vmem_shared>>
        tpu.enqueue_indirect_dma source(%arg13 : memref<128x16xf32, #tpu.memory_space<vmem>>) target(%dma_start3A_199 : memref<10240x16xf32, #tpu.memory_space<vmem_shared>>) offsets(%dma_start3A_196 : memref<128xi32, #tpu.memory_space<vmem>>) semaphore(%arg22 : memref<!tpu.dma_semaphore, #tpu.memory_space<semaphore_mem>>) {add = true}
      } else {
      }
      %not3A_167 = arith.constant true
      %not3A_168 = arith.xori %eq3A_0, %not3A_167 : i1
      %convert_element_type3A_169 = arith.extui %not3A_168 : i1 to i32
      %cond3A_170 = arith.constant 0 : i32
      %cond3A_171 = arith.cmpi ne, %convert_element_type3A_169, %cond3A_170 : i32
      scf.if %cond3A_171 {
        %dma_start3A_194 = arith.constant 0 : i32
        %dma_start3A_195 = tpu.memref_slice %arg9[%add3A_52, %dma_start3A_194] : memref<158x128xi32, #tpu.memory_space<vmem>> -> memref<1x128xi32, #tpu.memory_space<vmem>>
        %dma_start3A_196 = tpu.memref_squeeze %dma_start3A_195 : memref<1x128xi32, #tpu.memory_space<vmem>> -> memref<128xi32, #tpu.memory_space<vmem>>
        %dma_start3A_197 = arith.constant 0 : i32
        %dma_start3A_198 = arith.constant 0 : i32
        %dma_start3A_199 = tpu.memref_slice %arg18[%dma_start3A_197, %dma_start3A_198] : memref<10240x16xf32, #tpu.memory_space<vmem_shared>> -> memref<10240x16xf32, #tpu.memory_space<vmem_shared>>
        tpu.enqueue_indirect_dma source(%arg14 : memref<128x16xf32, #tpu.memory_space<vmem>>) target(%dma_start3A_199 : memref<10240x16xf32, #tpu.memory_space<vmem_shared>>) offsets(%dma_start3A_196 : memref<128xi32, #tpu.memory_space<vmem>>) semaphore(%arg22 : memref<!tpu.dma_semaphore, #tpu.memory_space<semaphore_mem>>) {add = true}
      } else {
      }
      %dma_wait3A_172 = arith.constant 0 : i32
      %dma_wait3A_173 = tpu.memref_slice %arg9[%add3A_52, %dma_wait3A_172] : memref<158x128xi32, #tpu.memory_space<vmem>> -> memref<1x128xi32, #tpu.memory_space<vmem>>
      %dma_wait3A_174 = tpu.memref_squeeze %dma_wait3A_173 : memref<1x128xi32, #tpu.memory_space<vmem>> -> memref<128xi32, #tpu.memory_space<vmem>>
      %dma_wait3A_175 = arith.constant 0 : i32
      %dma_wait3A_176 = arith.constant 0 : i32
      %dma_wait3A_177 = tpu.memref_slice %arg17[%dma_wait3A_175, %dma_wait3A_176] : memref<10240x64xf32, #tpu.memory_space<vmem_shared>> -> memref<10240x64xf32, #tpu.memory_space<vmem_shared>>
      tpu.wait_indirect_dma semaphore(%arg22 : memref<!tpu.dma_semaphore, #tpu.memory_space<semaphore_mem>>) src(%arg11 : memref<128x64xf32, #tpu.memory_space<vmem>>) dst(%dma_wait3A_177 : memref<10240x64xf32, #tpu.memory_space<vmem_shared>>)
      %mul3A_178 = arith.constant 128 : i32
      %mul3A_179 = arith.muli %add3A_52, %mul3A_178 : i32
      %add3A_180 = arith.addi %mul3A_23, %mul3A_179 : i32
      %add3A_181 = arith.constant 128 : i32
      %add3A_182 = arith.addi %add3A_180, %add3A_181 : i32
      %le3A_183 = arith.constant 320000 : i32
      %le3A_184 = arith.cmpi sle, %add3A_182, %le3A_183 : i32
      %and3A_185 = arith.andi %eq3A_0, %le3A_184 : i1
      %convert_element_type3A_186 = arith.extui %and3A_185 : i1 to i32
      %cond3A_187 = arith.constant 0 : i32
      %cond3A_188 = arith.cmpi ne, %convert_element_type3A_186, %cond3A_187 : i32
      scf.if %cond3A_188 {
        %dma_wait3A_194 = arith.constant 0 : i32
        %dma_wait3A_195 = tpu.memref_slice %arg9[%add3A_52, %dma_wait3A_194] : memref<158x128xi32, #tpu.memory_space<vmem>> -> memref<1x128xi32, #tpu.memory_space<vmem>>
        %dma_wait3A_196 = tpu.memref_squeeze %dma_wait3A_195 : memref<1x128xi32, #tpu.memory_space<vmem>> -> memref<128xi32, #tpu.memory_space<vmem>>
        %dma_wait3A_197 = arith.constant 0 : i32
        %dma_wait3A_198 = arith.constant 0 : i32
        %dma_wait3A_199 = tpu.memref_slice %arg18[%dma_wait3A_197, %dma_wait3A_198] : memref<10240x16xf32, #tpu.memory_space<vmem_shared>> -> memref<10240x16xf32, #tpu.memory_space<vmem_shared>>
        tpu.wait_indirect_dma semaphore(%arg22 : memref<!tpu.dma_semaphore, #tpu.memory_space<semaphore_mem>>) src(%arg13 : memref<128x16xf32, #tpu.memory_space<vmem>>) dst(%dma_wait3A_199 : memref<10240x16xf32, #tpu.memory_space<vmem_shared>>)
      } else {
      }
      %not3A_189 = arith.constant true
      %not3A_190 = arith.xori %eq3A_0, %not3A_189 : i1
      %convert_element_type3A_191 = arith.extui %not3A_190 : i1 to i32
      %cond3A_192 = arith.constant 0 : i32
      %cond3A_193 = arith.cmpi ne, %convert_element_type3A_191, %cond3A_192 : i32
      scf.if %cond3A_193 {
        %dma_wait3A_194 = arith.constant 0 : i32
        %dma_wait3A_195 = tpu.memref_slice %arg9[%add3A_52, %dma_wait3A_194] : memref<158x128xi32, #tpu.memory_space<vmem>> -> memref<1x128xi32, #tpu.memory_space<vmem>>
        %dma_wait3A_196 = tpu.memref_squeeze %dma_wait3A_195 : memref<1x128xi32, #tpu.memory_space<vmem>> -> memref<128xi32, #tpu.memory_space<vmem>>
        %dma_wait3A_197 = arith.constant 0 : i32
        %dma_wait3A_198 = arith.constant 0 : i32
        %dma_wait3A_199 = tpu.memref_slice %arg18[%dma_wait3A_197, %dma_wait3A_198] : memref<10240x16xf32, #tpu.memory_space<vmem_shared>> -> memref<10240x16xf32, #tpu.memory_space<vmem_shared>>
        tpu.wait_indirect_dma semaphore(%arg22 : memref<!tpu.dma_semaphore, #tpu.memory_space<semaphore_mem>>) src(%arg14 : memref<128x16xf32, #tpu.memory_space<vmem>>) dst(%dma_wait3A_199 : memref<10240x16xf32, #tpu.memory_space<vmem_shared>>)
      } else {
      }
    }
    %scan3A_40 = arith.constant 79 : i32
    %barrier3A_41 = arith.constant 0 : index
    tpu.barrier barrier_id(%barrier3A_41)
    %mul3A_42 = arith.constant 640 : i32
    %mul3A_43 = arith.muli %arg1, %mul3A_42 : i32
    "tpu.region"() ({
      %run_scoped3A = tpu.sem_alloc : memref<!tpu.dma_semaphore, #tpu.memory_space<semaphore_mem>>
      %dma_start3A_44 = arith.constant 0 : i32
      %dma_start3A_45 = tpu.memref_slice %arg6[%arg0, %mul3A_43, %dma_start3A_44] : memref<2x10240x64xf32, #tpu.memory_space<hbm>> -> memref<1x640x64xf32, #tpu.memory_space<hbm>>
      %dma_start3A_46 = tpu.memref_squeeze %dma_start3A_45 : memref<1x640x64xf32, #tpu.memory_space<hbm>> -> memref<640x64xf32, #tpu.memory_space<hbm>>
      %dma_start3A_47 = arith.constant 0 : i32
      %dma_start3A_48 = tpu.memref_slice %arg17[%mul3A_43, %dma_start3A_47] : memref<10240x64xf32, #tpu.memory_space<vmem_shared>> -> memref<640x64xf32, #tpu.memory_space<vmem_shared>>
      tpu.enqueue_dma source(%dma_start3A_48 : memref<640x64xf32, #tpu.memory_space<vmem_shared>>) target(%dma_start3A_46 : memref<640x64xf32, #tpu.memory_space<hbm>>) target_semaphore(%run_scoped3A : memref<!tpu.dma_semaphore, #tpu.memory_space<semaphore_mem>>)
      %dma_wait3A = arith.constant 0 : i32
      %dma_wait3A_49 = tpu.memref_slice %arg6[%arg0, %mul3A_43, %dma_wait3A] : memref<2x10240x64xf32, #tpu.memory_space<hbm>> -> memref<1x640x64xf32, #tpu.memory_space<hbm>>
      %dma_wait3A_50 = tpu.memref_squeeze %dma_wait3A_49 : memref<1x640x64xf32, #tpu.memory_space<hbm>> -> memref<640x64xf32, #tpu.memory_space<hbm>>
      %dma_wait3A_51 = arith.constant 0 : i32
      %dma_wait3A_52 = tpu.memref_slice %arg17[%mul3A_43, %dma_wait3A_51] : memref<10240x64xf32, #tpu.memory_space<vmem_shared>> -> memref<640x64xf32, #tpu.memory_space<vmem_shared>>
      tpu.wait_dma2 semaphore(%run_scoped3A : memref<!tpu.dma_semaphore, #tpu.memory_space<semaphore_mem>>) src(%dma_wait3A_52 : memref<640x64xf32, #tpu.memory_space<vmem_shared>>) dst(%dma_wait3A_50 : memref<640x64xf32, #tpu.memory_space<hbm>>)
      tpu.yield
    }) : () -> ()
    "tpu.region"() ({
      %run_scoped3A = tpu.sem_alloc : memref<!tpu.dma_semaphore, #tpu.memory_space<semaphore_mem>>
      %dma_start3A_44 = arith.constant 0 : i32
      %dma_start3A_45 = tpu.memref_slice %arg7[%arg0, %mul3A_43, %dma_start3A_44] : memref<2x10240x16xf32, #tpu.memory_space<hbm>> -> memref<1x640x16xf32, #tpu.memory_space<hbm>>
      %dma_start3A_46 = tpu.memref_squeeze %dma_start3A_45 : memref<1x640x16xf32, #tpu.memory_space<hbm>> -> memref<640x16xf32, #tpu.memory_space<hbm>>
      %dma_start3A_47 = arith.constant 0 : i32
      %dma_start3A_48 = tpu.memref_slice %arg18[%mul3A_43, %dma_start3A_47] : memref<10240x16xf32, #tpu.memory_space<vmem_shared>> -> memref<640x16xf32, #tpu.memory_space<vmem_shared>>
      tpu.enqueue_dma source(%dma_start3A_48 : memref<640x16xf32, #tpu.memory_space<vmem_shared>>) target(%dma_start3A_46 : memref<640x16xf32, #tpu.memory_space<hbm>>) target_semaphore(%run_scoped3A : memref<!tpu.dma_semaphore, #tpu.memory_space<semaphore_mem>>)
      %dma_wait3A = arith.constant 0 : i32
      %dma_wait3A_49 = tpu.memref_slice %arg7[%arg0, %mul3A_43, %dma_wait3A] : memref<2x10240x16xf32, #tpu.memory_space<hbm>> -> memref<1x640x16xf32, #tpu.memory_space<hbm>>
      %dma_wait3A_50 = tpu.memref_squeeze %dma_wait3A_49 : memref<1x640x16xf32, #tpu.memory_space<hbm>> -> memref<640x16xf32, #tpu.memory_space<hbm>>
      %dma_wait3A_51 = arith.constant 0 : i32
      %dma_wait3A_52 = tpu.memref_slice %arg18[%mul3A_43, %dma_wait3A_51] : memref<10240x16xf32, #tpu.memory_space<vmem_shared>> -> memref<640x16xf32, #tpu.memory_space<vmem_shared>>
      tpu.wait_dma2 semaphore(%run_scoped3A : memref<!tpu.dma_semaphore, #tpu.memory_space<semaphore_mem>>) src(%dma_wait3A_52 : memref<640x16xf32, #tpu.memory_space<vmem_shared>>) dst(%dma_wait3A_50 : memref<640x16xf32, #tpu.memory_space<hbm>>)
      tpu.yield
    }) : () -> ()
    return
  }
}

#map = affine_map<(d0, d1) -> (0, 0)>
module attributes {stable_mosaic.version = 14 : i64} {
  func.func @eg(%arg0: i32, %arg1: i32, %arg2: memref<10000x16xf32, #tpu.memory_space<hbm>>, %arg3: memref<10000x16xf32, #tpu.memory_space<hbm>>, %arg4: memref<2528x128xi32, #tpu.memory_space<hbm>>, %arg5: memref<2528x128xi32, #tpu.memory_space<hbm>>, %arg6: memref<323584x16xf32, #tpu.memory_space<hbm>>, %arg7: memref<323584x16xf32, #tpu.memory_space<hbm>>, %arg8: memref<158x128xi32, #tpu.memory_space<vmem>>, %arg9: memref<128x16xf32, #tpu.memory_space<vmem>>, %arg10: memref<128x16xf32, #tpu.memory_space<vmem>>, %arg11: memref<!tpu.dma_semaphore, #tpu.memory_space<semaphore_mem>>, %arg12: memref<!tpu.dma_semaphore, #tpu.memory_space<semaphore_mem>>, %arg13: memref<!tpu.dma_semaphore, #tpu.memory_space<semaphore_mem>>, %arg14: memref<!tpu.dma_semaphore, #tpu.memory_space<semaphore_mem>>) attributes {dimension_semantics = [#tpu.dimension_semantics<core_parallel>, #tpu.dimension_semantics<subcore_parallel>], iteration_bounds = array<i64: 2, 16>, scalar_prefetch = 0 : i64, scratch_operands = 7 : i64, tpu.core_type = #tpu.core_type<sc_vector_subcore>, window_params = [{transform_indices = #map}, {transform_indices = #map}, {transform_indices = #map}, {transform_indices = #map}, {transform_indices = #map}, {transform_indices = #map}]} {
    %eq3A = arith.constant 0 : i32
    %eq3A_0 = arith.cmpi eq, %arg0, %eq3A : i32
    %mul3A = arith.constant 158 : i32
    %mul3A_1 = arith.muli %arg1, %mul3A : i32
    %mul3A_2 = arith.constant 128 : i32
    %mul3A_3 = arith.muli %mul3A_1, %mul3A_2 : i32
    %convert_element_type3A = arith.extui %eq3A_0 : i1 to i32
    %cond3A = arith.constant 0 : i32
    %cond3A_4 = arith.cmpi ne, %convert_element_type3A, %cond3A : i32
    scf.if %cond3A_4 {
      %mul3A_21 = arith.constant 158 : i32
      %mul3A_22 = arith.muli %arg1, %mul3A_21 : i32
      "tpu.region"() ({
        %run_scoped3A = tpu.sem_alloc : memref<!tpu.dma_semaphore, #tpu.memory_space<semaphore_mem>>
        %dma_start3A = arith.constant 0 : i32
        %dma_start3A_23 = tpu.memref_slice %arg4[%mul3A_22, %dma_start3A] : memref<2528x128xi32, #tpu.memory_space<hbm>> -> memref<158x128xi32, #tpu.memory_space<hbm>>
        %dma_start3A_24 = arith.constant 0 : i32
        %dma_start3A_25 = tpu.memref_slice %arg4[%mul3A_22, %dma_start3A_24] : memref<2528x128xi32, #tpu.memory_space<hbm>> -> memref<158x128xi32, #tpu.memory_space<hbm>>
        tpu.enqueue_dma source(%dma_start3A_25 : memref<158x128xi32, #tpu.memory_space<hbm>>) target(%arg8 : memref<158x128xi32, #tpu.memory_space<vmem>>) target_semaphore(%run_scoped3A : memref<!tpu.dma_semaphore, #tpu.memory_space<semaphore_mem>>)
        %dma_wait3A = arith.constant 0 : i32
        %dma_wait3A_26 = tpu.memref_slice %arg4[%mul3A_22, %dma_wait3A] : memref<2528x128xi32, #tpu.memory_space<hbm>> -> memref<158x128xi32, #tpu.memory_space<hbm>>
        %dma_wait3A_27 = arith.constant 0 : i32
        %dma_wait3A_28 = tpu.memref_slice %arg4[%mul3A_22, %dma_wait3A_27] : memref<2528x128xi32, #tpu.memory_space<hbm>> -> memref<158x128xi32, #tpu.memory_space<hbm>>
        tpu.wait_dma2 semaphore(%run_scoped3A : memref<!tpu.dma_semaphore, #tpu.memory_space<semaphore_mem>>) src(%dma_wait3A_28 : memref<158x128xi32, #tpu.memory_space<hbm>>) dst(%arg8 : memref<158x128xi32, #tpu.memory_space<vmem>>)
        tpu.yield
      }) : () -> ()
    } else {
    }
    %not3A = arith.constant true
    %not3A_5 = arith.xori %eq3A_0, %not3A : i1
    %convert_element_type3A_6 = arith.extui %not3A_5 : i1 to i32
    %cond3A_7 = arith.constant 0 : i32
    %cond3A_8 = arith.cmpi ne, %convert_element_type3A_6, %cond3A_7 : i32
    scf.if %cond3A_8 {
      %mul3A_21 = arith.constant 158 : i32
      %mul3A_22 = arith.muli %arg1, %mul3A_21 : i32
      "tpu.region"() ({
        %run_scoped3A = tpu.sem_alloc : memref<!tpu.dma_semaphore, #tpu.memory_space<semaphore_mem>>
        %dma_start3A = arith.constant 0 : i32
        %dma_start3A_23 = tpu.memref_slice %arg5[%mul3A_22, %dma_start3A] : memref<2528x128xi32, #tpu.memory_space<hbm>> -> memref<158x128xi32, #tpu.memory_space<hbm>>
        %dma_start3A_24 = arith.constant 0 : i32
        %dma_start3A_25 = tpu.memref_slice %arg5[%mul3A_22, %dma_start3A_24] : memref<2528x128xi32, #tpu.memory_space<hbm>> -> memref<158x128xi32, #tpu.memory_space<hbm>>
        tpu.enqueue_dma source(%dma_start3A_25 : memref<158x128xi32, #tpu.memory_space<hbm>>) target(%arg8 : memref<158x128xi32, #tpu.memory_space<vmem>>) target_semaphore(%run_scoped3A : memref<!tpu.dma_semaphore, #tpu.memory_space<semaphore_mem>>)
        %dma_wait3A = arith.constant 0 : i32
        %dma_wait3A_26 = tpu.memref_slice %arg5[%mul3A_22, %dma_wait3A] : memref<2528x128xi32, #tpu.memory_space<hbm>> -> memref<158x128xi32, #tpu.memory_space<hbm>>
        %dma_wait3A_27 = arith.constant 0 : i32
        %dma_wait3A_28 = tpu.memref_slice %arg5[%mul3A_22, %dma_wait3A_27] : memref<2528x128xi32, #tpu.memory_space<hbm>> -> memref<158x128xi32, #tpu.memory_space<hbm>>
        tpu.wait_dma2 semaphore(%run_scoped3A : memref<!tpu.dma_semaphore, #tpu.memory_space<semaphore_mem>>) src(%dma_wait3A_28 : memref<158x128xi32, #tpu.memory_space<hbm>>) dst(%arg8 : memref<158x128xi32, #tpu.memory_space<vmem>>)
        tpu.yield
      }) : () -> ()
    } else {
    }
    %convert_element_type3A_9 = arith.extui %eq3A_0 : i1 to i32
    %cond3A_10 = arith.constant 0 : i32
    %cond3A_11 = arith.cmpi ne, %convert_element_type3A_9, %cond3A_10 : i32
    scf.if %cond3A_11 {
      %dma_start3A = arith.constant 0 : i32
      %dma_start3A_21 = arith.constant 0 : i32
      %dma_start3A_22 = tpu.memref_slice %arg8[%dma_start3A, %dma_start3A_21] : memref<158x128xi32, #tpu.memory_space<vmem>> -> memref<1x128xi32, #tpu.memory_space<vmem>>
      %dma_start3A_23 = tpu.memref_squeeze %dma_start3A_22 : memref<1x128xi32, #tpu.memory_space<vmem>> -> memref<128xi32, #tpu.memory_space<vmem>>
      %dma_start3A_24 = arith.constant 0 : i32
      %dma_start3A_25 = arith.constant 0 : i32
      %dma_start3A_26 = tpu.memref_slice %arg2[%dma_start3A_24, %dma_start3A_25] : memref<10000x16xf32, #tpu.memory_space<hbm>> -> memref<10000x16xf32, #tpu.memory_space<hbm>>
      tpu.enqueue_indirect_dma source(%dma_start3A_26 : memref<10000x16xf32, #tpu.memory_space<hbm>>) target(%arg9 : memref<128x16xf32, #tpu.memory_space<vmem>>) offsets(%dma_start3A_23 : memref<128xi32, #tpu.memory_space<vmem>>) semaphore(%arg11 : memref<!tpu.dma_semaphore, #tpu.memory_space<semaphore_mem>>)
    } else {
    }
    %not3A_12 = arith.constant true
    %not3A_13 = arith.xori %eq3A_0, %not3A_12 : i1
    %convert_element_type3A_14 = arith.extui %not3A_13 : i1 to i32
    %cond3A_15 = arith.constant 0 : i32
    %cond3A_16 = arith.cmpi ne, %convert_element_type3A_14, %cond3A_15 : i32
    scf.if %cond3A_16 {
      %dma_start3A = arith.constant 0 : i32
      %dma_start3A_21 = arith.constant 0 : i32
      %dma_start3A_22 = tpu.memref_slice %arg8[%dma_start3A, %dma_start3A_21] : memref<158x128xi32, #tpu.memory_space<vmem>> -> memref<1x128xi32, #tpu.memory_space<vmem>>
      %dma_start3A_23 = tpu.memref_squeeze %dma_start3A_22 : memref<1x128xi32, #tpu.memory_space<vmem>> -> memref<128xi32, #tpu.memory_space<vmem>>
      %dma_start3A_24 = arith.constant 0 : i32
      %dma_start3A_25 = arith.constant 0 : i32
      %dma_start3A_26 = tpu.memref_slice %arg3[%dma_start3A_24, %dma_start3A_25] : memref<10000x16xf32, #tpu.memory_space<hbm>> -> memref<10000x16xf32, #tpu.memory_space<hbm>>
      tpu.enqueue_indirect_dma source(%dma_start3A_26 : memref<10000x16xf32, #tpu.memory_space<hbm>>) target(%arg9 : memref<128x16xf32, #tpu.memory_space<vmem>>) offsets(%dma_start3A_23 : memref<128xi32, #tpu.memory_space<vmem>>) semaphore(%arg11 : memref<!tpu.dma_semaphore, #tpu.memory_space<semaphore_mem>>)
    } else {
    }
    %scan3A = arith.constant 0 : i32
    %scan3A_17 = arith.constant 79 : i32
    %scan3A_18 = arith.addi %scan3A, %scan3A_17 : i32
    %scan3A_19 = arith.constant 1 : i32
    scf.for %scan3A_21 = %scan3A to %scan3A_18 step %scan3A_19  : i32 {
      %mul3A_22 = arith.constant 1 : i32
      %mul3A_23 = arith.muli %scan3A_21, %mul3A_22 : i32
      %add3A = arith.constant 0 : i32
      %add3A_24 = arith.addi %add3A, %mul3A_23 : i32
      %mul3A_25 = arith.constant 2 : i32
      %mul3A_26 = arith.muli %mul3A_25, %add3A_24 : i32
      %add3A_27 = arith.constant 1 : i32
      %add3A_28 = arith.addi %mul3A_26, %add3A_27 : i32
      %convert_element_type3A_29 = arith.extui %eq3A_0 : i1 to i32
      %cond3A_30 = arith.constant 0 : i32
      %cond3A_31 = arith.cmpi ne, %convert_element_type3A_29, %cond3A_30 : i32
      scf.if %cond3A_31 {
        %dma_start3A = arith.constant 0 : i32
        %dma_start3A_82 = tpu.memref_slice %arg8[%add3A_28, %dma_start3A] : memref<158x128xi32, #tpu.memory_space<vmem>> -> memref<1x128xi32, #tpu.memory_space<vmem>>
        %dma_start3A_83 = tpu.memref_squeeze %dma_start3A_82 : memref<1x128xi32, #tpu.memory_space<vmem>> -> memref<128xi32, #tpu.memory_space<vmem>>
        %dma_start3A_84 = arith.constant 0 : i32
        %dma_start3A_85 = arith.constant 0 : i32
        %dma_start3A_86 = tpu.memref_slice %arg2[%dma_start3A_84, %dma_start3A_85] : memref<10000x16xf32, #tpu.memory_space<hbm>> -> memref<10000x16xf32, #tpu.memory_space<hbm>>
        tpu.enqueue_indirect_dma source(%dma_start3A_86 : memref<10000x16xf32, #tpu.memory_space<hbm>>) target(%arg10 : memref<128x16xf32, #tpu.memory_space<vmem>>) offsets(%dma_start3A_83 : memref<128xi32, #tpu.memory_space<vmem>>) semaphore(%arg12 : memref<!tpu.dma_semaphore, #tpu.memory_space<semaphore_mem>>)
      } else {
      }
      %not3A_32 = arith.constant true
      %not3A_33 = arith.xori %eq3A_0, %not3A_32 : i1
      %convert_element_type3A_34 = arith.extui %not3A_33 : i1 to i32
      %cond3A_35 = arith.constant 0 : i32
      %cond3A_36 = arith.cmpi ne, %convert_element_type3A_34, %cond3A_35 : i32
      scf.if %cond3A_36 {
        %dma_start3A = arith.constant 0 : i32
        %dma_start3A_82 = tpu.memref_slice %arg8[%add3A_28, %dma_start3A] : memref<158x128xi32, #tpu.memory_space<vmem>> -> memref<1x128xi32, #tpu.memory_space<vmem>>
        %dma_start3A_83 = tpu.memref_squeeze %dma_start3A_82 : memref<1x128xi32, #tpu.memory_space<vmem>> -> memref<128xi32, #tpu.memory_space<vmem>>
        %dma_start3A_84 = arith.constant 0 : i32
        %dma_start3A_85 = arith.constant 0 : i32
        %dma_start3A_86 = tpu.memref_slice %arg3[%dma_start3A_84, %dma_start3A_85] : memref<10000x16xf32, #tpu.memory_space<hbm>> -> memref<10000x16xf32, #tpu.memory_space<hbm>>
        tpu.enqueue_indirect_dma source(%dma_start3A_86 : memref<10000x16xf32, #tpu.memory_space<hbm>>) target(%arg10 : memref<128x16xf32, #tpu.memory_space<vmem>>) offsets(%dma_start3A_83 : memref<128xi32, #tpu.memory_space<vmem>>) semaphore(%arg12 : memref<!tpu.dma_semaphore, #tpu.memory_space<semaphore_mem>>)
      } else {
      }
      %dma_wait3A = arith.constant 0 : i32
      %dma_wait3A_37 = tpu.memref_slice %arg8[%mul3A_26, %dma_wait3A] : memref<158x128xi32, #tpu.memory_space<vmem>> -> memref<1x128xi32, #tpu.memory_space<vmem>>
      %dma_wait3A_38 = tpu.memref_squeeze %dma_wait3A_37 : memref<1x128xi32, #tpu.memory_space<vmem>> -> memref<128xi32, #tpu.memory_space<vmem>>
      %dma_wait3A_39 = arith.constant 0 : i32
      %dma_wait3A_40 = arith.constant 0 : i32
      %dma_wait3A_41 = tpu.memref_slice %arg2[%dma_wait3A_39, %dma_wait3A_40] : memref<10000x16xf32, #tpu.memory_space<hbm>> -> memref<10000x16xf32, #tpu.memory_space<hbm>>
      tpu.wait_indirect_dma semaphore(%arg11 : memref<!tpu.dma_semaphore, #tpu.memory_space<semaphore_mem>>) src(%dma_wait3A_41 : memref<10000x16xf32, #tpu.memory_space<hbm>>) dst(%arg9 : memref<128x16xf32, #tpu.memory_space<vmem>>)
      %convert_element_type3A_42 = arith.extui %eq3A_0 : i1 to i32
      %cond3A_43 = arith.constant 0 : i32
      %cond3A_44 = arith.cmpi ne, %convert_element_type3A_42, %cond3A_43 : i32
      scf.if %cond3A_44 {
        %mul3A_82 = arith.constant 128 : i32
        %mul3A_83 = arith.muli %mul3A_26, %mul3A_82 : i32
        %add3A_84 = arith.addi %mul3A_3, %mul3A_83 : i32
        %dma_start3A = arith.constant 0 : i32
        %dma_start3A_85 = tpu.memref_slice %arg6[%add3A_84, %dma_start3A] : memref<323584x16xf32, #tpu.memory_space<hbm>> -> memref<128x16xf32, #tpu.memory_space<hbm>>
        %dma_start3A_86 = arith.constant 0 : i32
        %dma_start3A_87 = tpu.memref_slice %arg6[%add3A_84, %dma_start3A_86] : memref<323584x16xf32, #tpu.memory_space<hbm>> -> memref<128x16xf32, #tpu.memory_space<hbm>>
        tpu.enqueue_dma source(%arg9 : memref<128x16xf32, #tpu.memory_space<vmem>>) target(%dma_start3A_87 : memref<128x16xf32, #tpu.memory_space<hbm>>) target_semaphore(%arg13 : memref<!tpu.dma_semaphore, #tpu.memory_space<semaphore_mem>>)
      } else {
      }
      %not3A_45 = arith.constant true
      %not3A_46 = arith.xori %eq3A_0, %not3A_45 : i1
      %convert_element_type3A_47 = arith.extui %not3A_46 : i1 to i32
      %cond3A_48 = arith.constant 0 : i32
      %cond3A_49 = arith.cmpi ne, %convert_element_type3A_47, %cond3A_48 : i32
      scf.if %cond3A_49 {
        %mul3A_82 = arith.constant 128 : i32
        %mul3A_83 = arith.muli %mul3A_26, %mul3A_82 : i32
        %add3A_84 = arith.addi %mul3A_3, %mul3A_83 : i32
        %dma_start3A = arith.constant 0 : i32
        %dma_start3A_85 = tpu.memref_slice %arg7[%add3A_84, %dma_start3A] : memref<323584x16xf32, #tpu.memory_space<hbm>> -> memref<128x16xf32, #tpu.memory_space<hbm>>
        %dma_start3A_86 = arith.constant 0 : i32
        %dma_start3A_87 = tpu.memref_slice %arg7[%add3A_84, %dma_start3A_86] : memref<323584x16xf32, #tpu.memory_space<hbm>> -> memref<128x16xf32, #tpu.memory_space<hbm>>
        tpu.enqueue_dma source(%arg9 : memref<128x16xf32, #tpu.memory_space<vmem>>) target(%dma_start3A_87 : memref<128x16xf32, #tpu.memory_space<hbm>>) target_semaphore(%arg13 : memref<!tpu.dma_semaphore, #tpu.memory_space<semaphore_mem>>)
      } else {
      }
      %mul3A_50 = arith.constant 128 : i32
      %mul3A_51 = arith.muli %mul3A_26, %mul3A_50 : i32
      %add3A_52 = arith.addi %mul3A_3, %mul3A_51 : i32
      %dma_wait3A_53 = arith.constant 0 : i32
      %dma_wait3A_54 = tpu.memref_slice %arg6[%add3A_52, %dma_wait3A_53] : memref<323584x16xf32, #tpu.memory_space<hbm>> -> memref<128x16xf32, #tpu.memory_space<hbm>>
      %dma_wait3A_55 = arith.constant 0 : i32
      %dma_wait3A_56 = tpu.memref_slice %arg6[%add3A_52, %dma_wait3A_55] : memref<323584x16xf32, #tpu.memory_space<hbm>> -> memref<128x16xf32, #tpu.memory_space<hbm>>
      tpu.wait_dma2 semaphore(%arg13 : memref<!tpu.dma_semaphore, #tpu.memory_space<semaphore_mem>>) src(%arg9 : memref<128x16xf32, #tpu.memory_space<vmem>>) dst(%dma_wait3A_56 : memref<128x16xf32, #tpu.memory_space<hbm>>)
      %lt3A = arith.constant 78 : i32
      %lt3A_57 = arith.cmpi slt, %add3A_24, %lt3A : i32
      %convert_element_type3A_58 = arith.extui %lt3A_57 : i1 to i32
      %cond3A_59 = arith.constant 0 : i32
      %cond3A_60 = arith.cmpi ne, %convert_element_type3A_58, %cond3A_59 : i32
      scf.if %cond3A_60 {
        %add3A_82 = arith.constant 2 : i32
        %add3A_83 = arith.addi %mul3A_26, %add3A_82 : i32
        %convert_element_type3A_84 = arith.extui %eq3A_0 : i1 to i32
        %cond3A_85 = arith.constant 0 : i32
        %cond3A_86 = arith.cmpi ne, %convert_element_type3A_84, %cond3A_85 : i32
        scf.if %cond3A_86 {
          %dma_start3A = arith.constant 0 : i32
          %dma_start3A_92 = tpu.memref_slice %arg8[%add3A_83, %dma_start3A] : memref<158x128xi32, #tpu.memory_space<vmem>> -> memref<1x128xi32, #tpu.memory_space<vmem>>
          %dma_start3A_93 = tpu.memref_squeeze %dma_start3A_92 : memref<1x128xi32, #tpu.memory_space<vmem>> -> memref<128xi32, #tpu.memory_space<vmem>>
          %dma_start3A_94 = arith.constant 0 : i32
          %dma_start3A_95 = arith.constant 0 : i32
          %dma_start3A_96 = tpu.memref_slice %arg2[%dma_start3A_94, %dma_start3A_95] : memref<10000x16xf32, #tpu.memory_space<hbm>> -> memref<10000x16xf32, #tpu.memory_space<hbm>>
          tpu.enqueue_indirect_dma source(%dma_start3A_96 : memref<10000x16xf32, #tpu.memory_space<hbm>>) target(%arg9 : memref<128x16xf32, #tpu.memory_space<vmem>>) offsets(%dma_start3A_93 : memref<128xi32, #tpu.memory_space<vmem>>) semaphore(%arg11 : memref<!tpu.dma_semaphore, #tpu.memory_space<semaphore_mem>>)
        } else {
        }
        %not3A_87 = arith.constant true
        %not3A_88 = arith.xori %eq3A_0, %not3A_87 : i1
        %convert_element_type3A_89 = arith.extui %not3A_88 : i1 to i32
        %cond3A_90 = arith.constant 0 : i32
        %cond3A_91 = arith.cmpi ne, %convert_element_type3A_89, %cond3A_90 : i32
        scf.if %cond3A_91 {
          %dma_start3A = arith.constant 0 : i32
          %dma_start3A_92 = tpu.memref_slice %arg8[%add3A_83, %dma_start3A] : memref<158x128xi32, #tpu.memory_space<vmem>> -> memref<1x128xi32, #tpu.memory_space<vmem>>
          %dma_start3A_93 = tpu.memref_squeeze %dma_start3A_92 : memref<1x128xi32, #tpu.memory_space<vmem>> -> memref<128xi32, #tpu.memory_space<vmem>>
          %dma_start3A_94 = arith.constant 0 : i32
          %dma_start3A_95 = arith.constant 0 : i32
          %dma_start3A_96 = tpu.memref_slice %arg3[%dma_start3A_94, %dma_start3A_95] : memref<10000x16xf32, #tpu.memory_space<hbm>> -> memref<10000x16xf32, #tpu.memory_space<hbm>>
          tpu.enqueue_indirect_dma source(%dma_start3A_96 : memref<10000x16xf32, #tpu.memory_space<hbm>>) target(%arg9 : memref<128x16xf32, #tpu.memory_space<vmem>>) offsets(%dma_start3A_93 : memref<128xi32, #tpu.memory_space<vmem>>) semaphore(%arg11 : memref<!tpu.dma_semaphore, #tpu.memory_space<semaphore_mem>>)
        } else {
        }
      } else {
      }
      %dma_wait3A_61 = arith.constant 0 : i32
      %dma_wait3A_62 = tpu.memref_slice %arg8[%add3A_28, %dma_wait3A_61] : memref<158x128xi32, #tpu.memory_space<vmem>> -> memref<1x128xi32, #tpu.memory_space<vmem>>
      %dma_wait3A_63 = tpu.memref_squeeze %dma_wait3A_62 : memref<1x128xi32, #tpu.memory_space<vmem>> -> memref<128xi32, #tpu.memory_space<vmem>>
      %dma_wait3A_64 = arith.constant 0 : i32
      %dma_wait3A_65 = arith.constant 0 : i32
      %dma_wait3A_66 = tpu.memref_slice %arg2[%dma_wait3A_64, %dma_wait3A_65] : memref<10000x16xf32, #tpu.memory_space<hbm>> -> memref<10000x16xf32, #tpu.memory_space<hbm>>
      tpu.wait_indirect_dma semaphore(%arg12 : memref<!tpu.dma_semaphore, #tpu.memory_space<semaphore_mem>>) src(%dma_wait3A_66 : memref<10000x16xf32, #tpu.memory_space<hbm>>) dst(%arg10 : memref<128x16xf32, #tpu.memory_space<vmem>>)
      %convert_element_type3A_67 = arith.extui %eq3A_0 : i1 to i32
      %cond3A_68 = arith.constant 0 : i32
      %cond3A_69 = arith.cmpi ne, %convert_element_type3A_67, %cond3A_68 : i32
      scf.if %cond3A_69 {
        %mul3A_82 = arith.constant 128 : i32
        %mul3A_83 = arith.muli %add3A_28, %mul3A_82 : i32
        %add3A_84 = arith.addi %mul3A_3, %mul3A_83 : i32
        %dma_start3A = arith.constant 0 : i32
        %dma_start3A_85 = tpu.memref_slice %arg6[%add3A_84, %dma_start3A] : memref<323584x16xf32, #tpu.memory_space<hbm>> -> memref<128x16xf32, #tpu.memory_space<hbm>>
        %dma_start3A_86 = arith.constant 0 : i32
        %dma_start3A_87 = tpu.memref_slice %arg6[%add3A_84, %dma_start3A_86] : memref<323584x16xf32, #tpu.memory_space<hbm>> -> memref<128x16xf32, #tpu.memory_space<hbm>>
        tpu.enqueue_dma source(%arg10 : memref<128x16xf32, #tpu.memory_space<vmem>>) target(%dma_start3A_87 : memref<128x16xf32, #tpu.memory_space<hbm>>) target_semaphore(%arg14 : memref<!tpu.dma_semaphore, #tpu.memory_space<semaphore_mem>>)
      } else {
      }
      %not3A_70 = arith.constant true
      %not3A_71 = arith.xori %eq3A_0, %not3A_70 : i1
      %convert_element_type3A_72 = arith.extui %not3A_71 : i1 to i32
      %cond3A_73 = arith.constant 0 : i32
      %cond3A_74 = arith.cmpi ne, %convert_element_type3A_72, %cond3A_73 : i32
      scf.if %cond3A_74 {
        %mul3A_82 = arith.constant 128 : i32
        %mul3A_83 = arith.muli %add3A_28, %mul3A_82 : i32
        %add3A_84 = arith.addi %mul3A_3, %mul3A_83 : i32
        %dma_start3A = arith.constant 0 : i32
        %dma_start3A_85 = tpu.memref_slice %arg7[%add3A_84, %dma_start3A] : memref<323584x16xf32, #tpu.memory_space<hbm>> -> memref<128x16xf32, #tpu.memory_space<hbm>>
        %dma_start3A_86 = arith.constant 0 : i32
        %dma_start3A_87 = tpu.memref_slice %arg7[%add3A_84, %dma_start3A_86] : memref<323584x16xf32, #tpu.memory_space<hbm>> -> memref<128x16xf32, #tpu.memory_space<hbm>>
        tpu.enqueue_dma source(%arg10 : memref<128x16xf32, #tpu.memory_space<vmem>>) target(%dma_start3A_87 : memref<128x16xf32, #tpu.memory_space<hbm>>) target_semaphore(%arg14 : memref<!tpu.dma_semaphore, #tpu.memory_space<semaphore_mem>>)
      } else {
      }
      %mul3A_75 = arith.constant 128 : i32
      %mul3A_76 = arith.muli %add3A_28, %mul3A_75 : i32
      %add3A_77 = arith.addi %mul3A_3, %mul3A_76 : i32
      %dma_wait3A_78 = arith.constant 0 : i32
      %dma_wait3A_79 = tpu.memref_slice %arg6[%add3A_77, %dma_wait3A_78] : memref<323584x16xf32, #tpu.memory_space<hbm>> -> memref<128x16xf32, #tpu.memory_space<hbm>>
      %dma_wait3A_80 = arith.constant 0 : i32
      %dma_wait3A_81 = tpu.memref_slice %arg6[%add3A_77, %dma_wait3A_80] : memref<323584x16xf32, #tpu.memory_space<hbm>> -> memref<128x16xf32, #tpu.memory_space<hbm>>
      tpu.wait_dma2 semaphore(%arg14 : memref<!tpu.dma_semaphore, #tpu.memory_space<semaphore_mem>>) src(%arg10 : memref<128x16xf32, #tpu.memory_space<vmem>>) dst(%dma_wait3A_81 : memref<128x16xf32, #tpu.memory_space<hbm>>)
    }
    %scan3A_20 = arith.constant 79 : i32
    return
  }
}

module attributes {stable_mosaic.version = 14 : i64} {
  func.func @body(%arg0: i32, %arg1: memref<2x1000x64xf32, #tpu.memory_space<vmem>>, %arg2: memref<2x1000x16xf32, #tpu.memory_space<vmem>>, %arg3: memref<1000x128xf32, #tpu.memory_space<vmem>>, %arg4: memref<128x128xf32, #tpu.memory_space<vmem>>, %arg5: memref<128x128xf32, #tpu.memory_space<vmem>>, %arg6: memref<128x16xf32, #tpu.memory_space<vmem>>, %arg7: memref<16x128xf32, #tpu.memory_space<vmem>>, %arg8: memref<16x128xf32, #tpu.memory_space<vmem>>, %arg9: memref<1x128xf32, #tpu.memory_space<vmem>>, %arg10: memref<1000x128xf32, #tpu.memory_space<vmem>>, %arg11: memref<1000x16xf32, #tpu.memory_space<vmem>>, %arg12: memref<1000x16xf32, #tpu.memory_space<vmem>>) attributes {dimension_semantics = [#tpu.dimension_semantics<arbitrary>], iteration_bounds = array<i64: 10>, scalar_prefetch = 0 : i64, scratch_operands = 0 : i64, tpu.core_type = #tpu.core_type<tc>, window_params = [{transform_indices = @transform_0, window_bounds = array<i64: 2, 1000, 64>}, {transform_indices = @transform_1, window_bounds = array<i64: 2, 1000, 16>}, {transform_indices = @transform_2, window_bounds = array<i64: 1000, 128>}, {pipeline_mode = #tpu.pipeline_mode<synchronous>, transform_indices = @transform_3, window_bounds = array<i64: 128, 128>}, {pipeline_mode = #tpu.pipeline_mode<synchronous>, transform_indices = @transform_4, window_bounds = array<i64: 128, 128>}, {pipeline_mode = #tpu.pipeline_mode<synchronous>, transform_indices = @transform_5, window_bounds = array<i64: 128, 16>}, {pipeline_mode = #tpu.pipeline_mode<synchronous>, transform_indices = @transform_6, window_bounds = array<i64: 16, 128>}, {pipeline_mode = #tpu.pipeline_mode<synchronous>, transform_indices = @transform_7, window_bounds = array<i64: 16, 128>}, {pipeline_mode = #tpu.pipeline_mode<synchronous>, transform_indices = @transform_8, window_bounds = array<i64: 1, 128>}, {transform_indices = @transform_9, window_bounds = array<i64: 1000, 128>}, {transform_indices = @transform_10, window_bounds = array<i64: 1000, 16>}, {transform_indices = @transform_11, window_bounds = array<i64: 1000, 16>}]} {
    %get3A = arith.constant 1 : index
    %get3A_0 = arith.constant 0 : index
    %get3A_1 = arith.constant 0 : index
    %get3A_2 = vector.load %arg2[%get3A, %get3A_0, %get3A_1] : memref<2x1000x16xf32, #tpu.memory_space<vmem>>, vector<1x1000x1xf32>
    %get3A_3 = vector.shape_cast %get3A_2 : vector<1x1000x1xf32> to vector<1000x1xf32>
    %max3A = arith.constant 1.000000e+00 : f32
    %max3A_4 = vector.broadcast %max3A : f32 to vector<1000x1xf32>
    %max3A_5 = arith.maximumf %get3A_3, %max3A_4 : vector<1000x1xf32>
    %get3A_6 = arith.constant 0 : index
    %get3A_7 = arith.constant 0 : index
    %get3A_8 = vector.load %arg5[%get3A_6, %get3A_7] : memref<128x128xf32, #tpu.memory_space<vmem>>, vector<128x128xf32>
    %get3A_9 = arith.constant 0 : index
    %get3A_10 = arith.constant 0 : index
    %get3A_11 = arith.constant 0 : index
    %get3A_12 = vector.load %arg1[%get3A_9, %get3A_10, %get3A_11] : memref<2x1000x64xf32, #tpu.memory_space<vmem>>, vector<1x1000x64xf32>
    %get3A_13 = vector.shape_cast %get3A_12 : vector<1x1000x64xf32> to vector<1000x64xf32>
    %slice3A = vector.extract_strided_slice %get3A_8 {offsets = [0, 0], sizes = [128, 64], strides = [1, 1]} : vector<128x128xf32> to vector<128x64xf32>
    %dot_general3A = arith.constant dense<0.000000e+00> : vector<1000x128xf32>
    %dot_general3A_14 = tpu.matmul %get3A_13, %slice3A, %dot_general3A {dimension_numbers = #tpu.dot_dimension_numbers<[1], [1], [0], [0], [0, 0, 1, 0], [], []>, transpose_lhs_hint = false} : vector<1000x64xf32>, vector<128x64xf32>, vector<1000x128xf32> -> vector<1000x128xf32>
    %get3A_15 = arith.constant 1 : index
    %get3A_16 = arith.constant 0 : index
    %get3A_17 = arith.constant 0 : index
    %get3A_18 = vector.load %arg1[%get3A_15, %get3A_16, %get3A_17] : memref<2x1000x64xf32, #tpu.memory_space<vmem>>, vector<1x1000x64xf32>
    %get3A_19 = vector.shape_cast %get3A_18 : vector<1x1000x64xf32> to vector<1000x64xf32>
    %slice3A_20 = vector.extract_strided_slice %get3A_8 {offsets = [0, 64], sizes = [128, 64], strides = [1, 1]} : vector<128x128xf32> to vector<128x64xf32>
    %dot_general3A_21 = arith.constant dense<0.000000e+00> : vector<1000x128xf32>
    %dot_general3A_22 = tpu.matmul %get3A_19, %slice3A_20, %dot_general3A_21 {dimension_numbers = #tpu.dot_dimension_numbers<[1], [1], [0], [0], [0, 0, 1, 0], [], []>, transpose_lhs_hint = false} : vector<1000x64xf32>, vector<128x64xf32>, vector<1000x128xf32> -> vector<1000x128xf32>
    %add3A = arith.addf %dot_general3A_14, %dot_general3A_22 : vector<1000x128xf32>
    %get3A_23 = arith.constant 0 : index
    %get3A_24 = arith.constant 0 : index
    %get3A_25 = arith.constant 0 : index
    %get3A_26 = vector.load %arg2[%get3A_23, %get3A_24, %get3A_25] : memref<2x1000x16xf32, #tpu.memory_space<vmem>>, vector<1x1000x16xf32>
    %get3A_27 = vector.shape_cast %get3A_26 : vector<1x1000x16xf32> to vector<1000x16xf32>
    %get3A_28 = arith.constant 0 : index
    %get3A_29 = arith.constant 0 : index
    %get3A_30 = vector.load %arg6[%get3A_28, %get3A_29] : memref<128x16xf32, #tpu.memory_space<vmem>>, vector<128x16xf32>
    %dot_general3A_31 = arith.constant dense<0.000000e+00> : vector<1000x128xf32>
    %dot_general3A_32 = tpu.matmul %get3A_27, %get3A_30, %dot_general3A_31 {dimension_numbers = #tpu.dot_dimension_numbers<[1], [1], [0], [0], [0, 0, 1, 0], [], []>, transpose_lhs_hint = false} : vector<1000x16xf32>, vector<128x16xf32>, vector<1000x128xf32> -> vector<1000x128xf32>
    %add3A_33 = arith.addf %add3A, %dot_general3A_32 : vector<1000x128xf32>
    %div3A = vector.broadcast %max3A_5 : vector<1000x1xf32> to vector<1000x128xf32>
    %div3A_34 = arith.divf %add3A_33, %div3A : vector<1000x128xf32>
    %get3A_35 = arith.constant 0 : index
    %get3A_36 = arith.constant 0 : index
    %get3A_37 = vector.load %arg3[%get3A_35, %get3A_36] : memref<1000x128xf32, #tpu.memory_space<vmem>>, vector<1000x128xf32>
    %get3A_38 = arith.constant 0 : index
    %get3A_39 = arith.constant 0 : index
    %get3A_40 = vector.load %arg4[%get3A_38, %get3A_39] : memref<128x128xf32, #tpu.memory_space<vmem>>, vector<128x128xf32>
    %dot_general3A_41 = arith.constant dense<0.000000e+00> : vector<1000x128xf32>
    %dot_general3A_42 = tpu.matmul %get3A_37, %get3A_40, %dot_general3A_41 {dimension_numbers = #tpu.dot_dimension_numbers<[1], [1], [0], [0], [0, 0, 1, 0], [], []>, transpose_lhs_hint = false} : vector<1000x128xf32>, vector<128x128xf32>, vector<1000x128xf32> -> vector<1000x128xf32>
    %add3A_43 = arith.addf %dot_general3A_42, %div3A_34 : vector<1000x128xf32>
    %get3A_44 = arith.constant 0 : index
    %get3A_45 = arith.constant 0 : index
    %get3A_46 = vector.load %arg9[%get3A_44, %get3A_45] : memref<1x128xf32, #tpu.memory_space<vmem>>, vector<1x128xf32>
    %add3A_47 = vector.broadcast %get3A_46 : vector<1x128xf32> to vector<1000x128xf32>
    %add3A_48 = arith.addf %add3A_43, %add3A_47 : vector<1000x128xf32>
    %max3A_49 = arith.constant 0.000000e+00 : f32
    %max3A_50 = vector.broadcast %max3A_49 : f32 to vector<1000x128xf32>
    %max3A_51 = arith.maximumf %add3A_48, %max3A_50 : vector<1000x128xf32>
    %swap3A = arith.constant 0 : index
    %swap3A_52 = arith.constant 0 : index
    %swap3A_53 = vector.load %arg10[%swap3A, %swap3A_52] : memref<1000x128xf32, #tpu.memory_space<vmem>>, vector<1000x128xf32>
    tpu.vector_store %arg10[%swap3A, %swap3A_52], %max3A_51 {strides = array<i32>} : memref<1000x128xf32, #tpu.memory_space<vmem>>, vector<1000x128xf32>,
    %get3A_54 = arith.constant 0 : index
    %get3A_55 = arith.constant 0 : index
    %get3A_56 = vector.load %arg7[%get3A_54, %get3A_55] : memref<16x128xf32, #tpu.memory_space<vmem>>, vector<16x128xf32>
    %dot_general3A_57 = arith.constant dense<0.000000e+00> : vector<1000x16xf32>
    %dot_general3A_58 = tpu.matmul %max3A_51, %get3A_56, %dot_general3A_57 {dimension_numbers = #tpu.dot_dimension_numbers<[1], [1], [0], [0], [0, 0, 1, 0], [], []>, transpose_lhs_hint = false} : vector<1000x128xf32>, vector<16x128xf32>, vector<1000x16xf32> -> vector<1000x16xf32>
    %swap3A_59 = arith.constant 0 : index
    %swap3A_60 = arith.constant 0 : index
    %swap3A_61 = vector.load %arg11[%swap3A_59, %swap3A_60] : memref<1000x16xf32, #tpu.memory_space<vmem>>, vector<1000x16xf32>
    tpu.vector_store %arg11[%swap3A_59, %swap3A_60], %dot_general3A_58 {strides = array<i32>} : memref<1000x16xf32, #tpu.memory_space<vmem>>, vector<1000x16xf32>,
    %get3A_62 = arith.constant 0 : index
    %get3A_63 = arith.constant 0 : index
    %get3A_64 = vector.load %arg8[%get3A_62, %get3A_63] : memref<16x128xf32, #tpu.memory_space<vmem>>, vector<16x128xf32>
    %dot_general3A_65 = arith.constant dense<0.000000e+00> : vector<1000x16xf32>
    %dot_general3A_66 = tpu.matmul %max3A_51, %get3A_64, %dot_general3A_65 {dimension_numbers = #tpu.dot_dimension_numbers<[1], [1], [0], [0], [0, 0, 1, 0], [], []>, transpose_lhs_hint = false} : vector<1000x128xf32>, vector<16x128xf32>, vector<1000x16xf32> -> vector<1000x16xf32>
    %swap3A_67 = arith.constant 0 : index
    %swap3A_68 = arith.constant 0 : index
    %swap3A_69 = vector.load %arg12[%swap3A_67, %swap3A_68] : memref<1000x16xf32, #tpu.memory_space<vmem>>, vector<1000x16xf32>
    tpu.vector_store %arg12[%swap3A_67, %swap3A_68], %dot_general3A_66 {strides = array<i32>} : memref<1000x16xf32, #tpu.memory_space<vmem>>, vector<1000x16xf32>,
    return
  }
  func.func @transform_0(%arg0: i32) -> (i32, i32, i32) {
    %c0_i32 = arith.constant 0 : i32
    %c0_i32_0 = arith.constant 0 : i32
    %c0_i32_1 = arith.constant 0 : i32
    return %c0_i32, %arg0, %c0_i32_0 : i32, i32, i32
  }
  func.func @transform_1(%arg0: i32) -> (i32, i32, i32) {
    %c0_i32 = arith.constant 0 : i32
    %c0_i32_0 = arith.constant 0 : i32
    %c0_i32_1 = arith.constant 0 : i32
    return %c0_i32, %arg0, %c0_i32_0 : i32, i32, i32
  }
  func.func @transform_2(%arg0: i32) -> (i32, i32) {
    %c0_i32 = arith.constant 0 : i32
    %c0_i32_0 = arith.constant 0 : i32
    return %arg0, %c0_i32 : i32, i32
  }
  func.func @transform_3(%arg0: i32) -> (i32, i32) {
    %c0_i32 = arith.constant 0 : i32
    %c0_i32_0 = arith.constant 0 : i32
    %c0_i32_1 = arith.constant 0 : i32
    return %c0_i32, %c0_i32_0 : i32, i32
  }
  func.func @transform_4(%arg0: i32) -> (i32, i32) {
    %c0_i32 = arith.constant 0 : i32
    %c0_i32_0 = arith.constant 0 : i32
    %c0_i32_1 = arith.constant 0 : i32
    return %c0_i32, %c0_i32_0 : i32, i32
  }
  func.func @transform_5(%arg0: i32) -> (i32, i32) {
    %c0_i32 = arith.constant 0 : i32
    %c0_i32_0 = arith.constant 0 : i32
    %c0_i32_1 = arith.constant 0 : i32
    return %c0_i32, %c0_i32_0 : i32, i32
  }
  func.func @transform_6(%arg0: i32) -> (i32, i32) {
    %c0_i32 = arith.constant 0 : i32
    %c0_i32_0 = arith.constant 0 : i32
    %c0_i32_1 = arith.constant 0 : i32
    return %c0_i32, %c0_i32_0 : i32, i32
  }
  func.func @transform_7(%arg0: i32) -> (i32, i32) {
    %c0_i32 = arith.constant 0 : i32
    %c0_i32_0 = arith.constant 0 : i32
    %c0_i32_1 = arith.constant 0 : i32
    return %c0_i32, %c0_i32_0 : i32, i32
  }
  func.func @transform_8(%arg0: i32) -> (i32, i32) {
    %c0_i32 = arith.constant 0 : i32
    %c0_i32_0 = arith.constant 0 : i32
    %c0_i32_1 = arith.constant 0 : i32
    return %c0_i32, %c0_i32_0 : i32, i32
  }
  func.func @transform_9(%arg0: i32) -> (i32, i32) {
    %c0_i32 = arith.constant 0 : i32
    %c0_i32_0 = arith.constant 0 : i32
    return %arg0, %c0_i32 : i32, i32
  }
  func.func @transform_10(%arg0: i32) -> (i32, i32) {
    %c0_i32 = arith.constant 0 : i32
    %c0_i32_0 = arith.constant 0 : i32
    return %arg0, %c0_i32 : i32, i32
  }
  func.func @transform_11(%arg0: i32) -> (i32, i32) {
    %c0_i32 = arith.constant 0 : i32
    %c0_i32_0 = arith.constant 0 : i32
    return %arg0, %c0_i32 : i32, i32
  }
}

module attributes {stable_mosaic.version = 14 : i64} {
  func.func @body(%arg0: i32, %arg1: memref<4000x128xf32, #tpu.memory_space<vmem>>, %arg2: memref<4000x128xf32, #tpu.memory_space<vmem>>, %arg3: memref<1x128xf32, #tpu.memory_space<vmem>>, %arg4: memref<4000x128xf32, #tpu.memory_space<vmem>>) attributes {dimension_semantics = [#tpu.dimension_semantics<arbitrary>], iteration_bounds = array<i64: 10>, scalar_prefetch = 0 : i64, scratch_operands = 0 : i64, tpu.core_type = #tpu.core_type<tc>, window_params = [{transform_indices = @transform_0, window_bounds = array<i64: 4000, 128>}, {transform_indices = @transform_1, window_bounds = array<i64: 4000, 128>}, {pipeline_mode = #tpu.pipeline_mode<synchronous>, transform_indices = @transform_2, window_bounds = array<i64: 1, 128>}, {transform_indices = @transform_3, window_bounds = array<i64: 4000, 128>}]} {
    %get3A = arith.constant 0 : index
    %get3A_0 = arith.constant 0 : index
    %get3A_1 = vector.load %arg1[%get3A, %get3A_0] : memref<4000x128xf32, #tpu.memory_space<vmem>>, vector<4000x128xf32>
    %get3A_2 = arith.constant 0 : index
    %get3A_3 = arith.constant 0 : index
    %get3A_4 = vector.load %arg2[%get3A_2, %get3A_3] : memref<4000x128xf32, #tpu.memory_space<vmem>>, vector<4000x128xf32>
    %add3A = arith.addf %get3A_1, %get3A_4 : vector<4000x128xf32>
    %get3A_5 = arith.constant 0 : index
    %get3A_6 = arith.constant 0 : index
    %get3A_7 = vector.load %arg3[%get3A_5, %get3A_6] : memref<1x128xf32, #tpu.memory_space<vmem>>, vector<1x128xf32>
    %add3A_8 = vector.broadcast %get3A_7 : vector<1x128xf32> to vector<4000x128xf32>
    %add3A_9 = arith.addf %add3A, %add3A_8 : vector<4000x128xf32>
    %max3A = arith.constant 0.000000e+00 : f32
    %max3A_10 = vector.broadcast %max3A : f32 to vector<4000x128xf32>
    %max3A_11 = arith.maximumf %add3A_9, %max3A_10 : vector<4000x128xf32>
    %swap3A = arith.constant 0 : index
    %swap3A_12 = arith.constant 0 : index
    %swap3A_13 = vector.load %arg4[%swap3A, %swap3A_12] : memref<4000x128xf32, #tpu.memory_space<vmem>>, vector<4000x128xf32>
    tpu.vector_store %arg4[%swap3A, %swap3A_12], %max3A_11 {strides = array<i32>} : memref<4000x128xf32, #tpu.memory_space<vmem>>, vector<4000x128xf32>,
    return
  }
  func.func @transform_0(%arg0: i32) -> (i32, i32) {
    %c0_i32 = arith.constant 0 : i32
    %c0_i32_0 = arith.constant 0 : i32
    return %arg0, %c0_i32 : i32, i32
  }
  func.func @transform_1(%arg0: i32) -> (i32, i32) {
    %c0_i32 = arith.constant 0 : i32
    %c0_i32_0 = arith.constant 0 : i32
    return %arg0, %c0_i32 : i32, i32
  }
  func.func @transform_2(%arg0: i32) -> (i32, i32) {
    %c0_i32 = arith.constant 0 : i32
    %c0_i32_0 = arith.constant 0 : i32
    %c0_i32_1 = arith.constant 0 : i32
    return %c0_i32, %c0_i32_0 : i32, i32
  }
  func.func @transform_3(%arg0: i32) -> (i32, i32) {
    %c0_i32 = arith.constant 0 : i32
    %c0_i32_0 = arith.constant 0 : i32
    return %arg0, %c0_i32 : i32, i32
  }
}

</mosaic_0001>

<sc_bundles>
// kernel: kernel.6.cloned.1.call-start
scs
__scs_entry_jumppad:
0x0: {  	(pc) =	sbr.rel $0x88, $3  }
0x1: {  	(tag) =	ssettag $0x0;
	lr =	simm.s32 $0x1  }
0x2: {  	[smem:$0x3F9A] =	sst lr;
	_ =	strace $0xD0000000  }
0x3: {  	_ = 	snop  }
0x4: {  	_ = 	snop  }
0x5: {  	_ = 	snop  }
0x6: {  	_ = 	snop  }
0x7: {  	_ = 	snop  }
__scs_overlays_trampoline_lowered:
0x8: {  	[smem:$0x3FA9] =	sst s0  }
0x9: {  	[smem:$0x3FAA] =	sst s1  }
0xa: {  	[smem:$0x3FAB] =	sst s2  }
0xb: {  	[smem:$0x3FAC] =	sst s3  }
0xc: {  	[smem:$0x3FAD] =	sst s4  }
0xd: {  	[smem:$0x3FAE] =	sst s5  }
0xe: {  	[smem:$0x3FAF] =	sst s6  }
0xf: {  	[smem:$0x3FB0] =	sst s7  }
0x10: {  	[smem:$0x3FB1] =	sst s8  }
0x11: {  	[smem:$0x3FB2] =	sst s9;
	s0 =	simm.s32 @!p0 $0x0  }
0x12: {  	s1 =	sld [smem:$0x3F98];
	s0 =	simm.s32 @p0 $0x1  }
0x13: {  	[smem:$0x3FB3] =	sst s0;
	s0 =	simm.s32 @!p1 $0x0  }
0x14: {  	s2 =	sld [smem:$0x3F97];
	s0 =	simm.s32 @p1 $0x1  }
0x15: {  	[smem:$0x3FB4] =	sst s0;
	s0 =	simm.s32 @!p2 $0x0  }
0x16: {  	s3 =	sld [smem:$0x3FDB];
	s0 =	simm.s32 @p2 $0x1  }
0x17: {  	s4 =	simm.s32 $0x1BF5;
	[smem:$0x3FB6] =	sst s0  }
0x18: {  	s0 =	sld [smem:$0x3F99];
	_ =	swait.ge [sflag:s4], $0x0  }
0x19: {  	s7 =	sld [smem:$0x3F9A]  }
0x1a: {  	s8 =	sadd.s32 $0xFFFFE003, lr  }
0x1b: {  	s9 =	sadd.s32 $0xFFFFFEF7, lr;
	s5 =	simm.s32 $0xFFFFFFFF;
	p2 =	slt.u32 s8, $0xFFFFF086  }
0x1c: {  	p1 =	slt.u32 s9, $0xF7A;
	s5 =	simm.s32 @!p2 $0x0  }
0x1d: {  	s5 =	simm.s32 @p1 $0x1;
	p0 =	seq.s32 s7, s2  }
0x1e: {  	s7 =	smul.u32 @!p0 $0xF7A, s2;
	p2 =	seq.s32 @!p0 s5, $0x0  }
0x1f: {  	s9 =	smul.u32 $0xF7A, s1;
	s8 =	simm.s32 @!p0 $0x1BF5;
	p2 =	por !p2, p0  }
0x20: {  	[sflag:s8] =	ssyncset.s32 @!p0 $0xFFFFF086;
	s6 =	sadd.s32 @!p0 s3, s7;
	s7 =	simm.s32 @!p0 $0x108  }
0x21: {  	s3 =	sadd.s32 s3, s9;
	s6 =	sadd.s32 @!p0 $0x88, s6;
	s7 =	simm.s32 @p2 $0x1082  }
0x22: {  	[simem:s7], [sflag:s8] =	dma.local @!p0 [hbm:s6], $0xF7A  }
0x23: {  	s9 =	sor.u32 $0xD0000000, s2;
	s6 =	simm.s32 $0x108;
	_ =	swait.ge @!p0 [sflag:s8], $0x0  }
0x24: {  	s3 =	sadd.s32 $0x88, s3;
	s6 =	simm.s32 @!p1 $0x1082;
	[sflag:s4] =	ssyncset.s32 $0xFFFFF086  }
0x25: {  	[simem:s6], [sflag:s4] =	dma.local [hbm:s3], $0xF7A  }
0x26: {  	[smem:$0x3F9A] =	sst s1;
	(tag) =	ssettag s2;
	_ =	strace s9  }
0x27: {  	s1 =	sld [smem:$0x3FAA]  }
0x28: {  	s2 =	sld [smem:$0x3FAB]  }
0x29: {  	s4 =	sld [smem:$0x3FAD]  }
0x2a: {  	p0 =	seq.s32 s5, $0x0;
	s5 =	sld [smem:$0x3FAE]  }
0x2b: {  	s6 =	sld [smem:$0x3FAF]  }
0x2c: {  	s7 =	sld [smem:$0x3FB0]  }
0x2d: {  	s3 =	simm.s32 $0x108;
	s8 =	sld [smem:$0x3FB1]  }
0x2e: {  	s3 =	simm.s32 @!p0 $0x1082;
	s9 =	sld [smem:$0x3FB2]  }
0x2f: {  	lr =	sadd.s32 s0, s3;
	s0 =	sld [smem:$0x3FA9]  }
0x30: {  	s3 =	sld [smem:$0x3FAC]  }
0x31: {  	[smem:$0x3FB5] =	sst s10  }
0x32: {  	s10 =	sld [smem:$0x3FB3];
	_ =	sdelay $0x3  }
0x33: {  	p0 =	seq.s32 s10, $0x1;
	s10 =	sld [smem:$0x3FB5];
	_ =	sdelay $0x3  }
0x34: {  	[smem:$0x3FB5] =	sst s10  }
0x35: {  	s10 =	sld [smem:$0x3FB4];
	_ =	sdelay $0x3  }
0x36: {  	p1 =	seq.s32 s10, $0x1;
	s10 =	sld [smem:$0x3FB5];
	_ =	sdelay $0x3  }
0x37: {  	[smem:$0x3FB5] =	sst s10  }
0x38: {  	s10 =	sld [smem:$0x3FB6]  }
0x39: {  	_ = 	snop;
	(pc) =	sbr.ind lr, $3  }
0x3a: {  	_ = 	snop  }
0x3b: {  	_ = 	snop  }
0x3c: {  	p2 =	seq.s32 s10, $0x1;
	s10 =	sld [smem:$0x3FB5]  }
0x3d: {  	_ =	shalt  }
0x3e: {  	_ =	shalt  }
0x3f: {  	_ =	shalt  }
0x40: {  	_ =	shalt  }
0x41: {  	_ =	shalt  }
0x42: {  	_ =	shalt  }
0x43: {  	_ =	shalt  }
0x44: {  	_ =	shalt  }
0x45: {  	_ =	shalt  }
0x46: {  	_ =	shalt  }
0x47: {  	_ =	shalt  }
0x48: {  	_ =	shalt  }
0x49: {  	_ =	shalt  }
0x4a: {  	_ =	shalt  }
0x4b: {  	_ =	shalt  }
0x4c: {  	_ =	shalt  }
0x4d: {  	_ =	shalt  }
0x4e: {  	_ =	shalt  }
0x4f: {  	_ =	shalt  }
0x50: {  	_ =	shalt  }
0x51: {  	_ =	shalt  }
0x52: {  	_ =	shalt  }
0x53: {  	_ =	shalt  }
0x54: {  	_ =	shalt  }
0x55: {  	_ =	shalt  }
0x56: {  	_ =	shalt  }
0x57: {  	_ =	shalt  }
0x58: {  	_ =	shalt  }
0x59: {  	_ =	shalt  }
0x5a: {  	_ =	shalt  }
0x5b: {  	_ =	shalt  }
0x5c: {  	_ =	shalt  }
0x5d: {  	_ =	shalt  }
0x5e: {  	_ =	shalt  }
0x5f: {  	_ =	shalt  }
0x60: {  	_ =	shalt  }
0x61: {  	_ =	shalt  }
0x62: {  	_ =	shalt  }
0x63: {  	_ =	shalt  }
0x64: {  	_ =	shalt  }
0x65: {  	_ =	shalt  }
0x66: {  	_ =	shalt  }
0x67: {  	_ =	shalt  }
0x68: {  	_ =	shalt  }
0x69: {  	_ =	shalt  }
0x6a: {  	_ =	shalt  }
0x6b: {  	_ =	shalt  }
0x6c: {  	_ =	shalt  }
0x6d: {  	_ =	shalt  }
0x6e: {  	_ =	shalt  }
0x6f: {  	_ =	shalt  }
0x70: {  	_ =	shalt  }
0x71: {  	_ =	shalt  }
0x72: {  	_ =	shalt  }
0x73: {  	_ =	shalt  }
0x74: {  	_ =	shalt  }
0x75: {  	_ =	shalt  }
0x76: {  	_ =	shalt  }
0x77: {  	_ =	shalt  }
0x78: {  	_ =	shalt  }
0x79: {  	_ =	shalt  }
0x7a: {  	_ =	shalt  }
0x7b: {  	_ =	shalt  }
0x7c: {  	_ =	shalt  }
0x7d: {  	_ =	shalt  }
0x7e: {  	_ =	shalt  }
0x7f: {  	_ =	shalt  }
0x80: {  	_ =	shalt  }
0x81: {  	_ =	shalt  }
0x82: {  	_ =	shalt  }
0x83: {  	_ =	shalt  }
0x84: {  	_ =	shalt  }
0x85: {  	_ =	shalt  }
0x86: {  	_ =	shalt  }
0x87: {  	_ =	shalt  }
.Lfunc_end0:
.L_simem_size_0:
called_computation_lowered:
.L_overlay_start_0:
0x88: {  	s2 =	sld [smem:$0x3FD9]  }
0x89: {  	s3 =	sld [smem:$0x3FFE];
	_ =	sdelay $0x1  }
0x8a: {  	s1 =	srdreg.scid  }
0x8b: {  	s0 =	sand.u32 $0x1, s1  }
0x8c: {  	s14 =	sshll.u32 s0, $0xA;
	s2 =	sadd.s32 s3, s2  }
0x8d: {  	s2 =	sadd.s32 s2, s14  }
0x8e: {  	[smem:$0x3FC1] =	sst s2  }
0x8f: {  	_ = 	snop  }
0x90: {  	s2 =	sld [smem:$0x3FD0];
	_ =	sdelay $0x2  }
0x91: {  	s4 =	simm.s32 $0xA;
	s5 =	simm.s32 $0x10;
	s15 =	sld [smem:$0x3FC9]  }
0x92: {  	[smem:s5], [sflag:s4] =	dma.local [hbm:s2], $0x1  }
0x93: {  	_ =	swait.eq [sflag:s4], $0x1  }
0x94: {  	[sflag:s4] =	ssyncset.done $0x0  }
0x95: {  	s16 =	sld [smem:$0x10];
	[sflag:s4] =	ssyncadd.s32 $0xFFFFFFFF  }
0x96: {  	s17 =	sld [smem:$0x11];
	(tm) =	ssettm $0x1  }
0x97: {  	s18 =	sld [smem:$0x3FFB];
	_ =	sdelay $0x3  }
0x98: {  	_ =	strace s18  }
0x99: {  	s5 =	sld [smem:$0x3FFC];
	_ =	sdelay $0x3  }
0x9a: {  	_ =	strace s5  }
0x9b: {  	s5 =	sld [smem:$0x3FFD];
	_ =	sdelay $0x3  }
0x9c: {  	_ =	strace s5  }
0x9d: {  	_ =	strace $0x8FFFFFFF  }
0x9e: {  	s19 =	sld [smem:$0x3FDB];
	_ =	sdelay $0x1  }
0x9f: {  	s6 =	simm.s32 $_scs_section_size  }
0xa0: {  	s7 =	simm.s32 $_size__tile_overlayer_lowered;
	s8 =	simm.s32 $_tile_overlayer_lowered  }
0xa1: {  	s22 =	simm.s32 $0x1BFF;
	s21 =	sshll.u32 s8, $0x1;
	s5 =	sadd.s32 s6, s19  }
0xa2: {  	s9 =	simm.s32 $0x0;
	s20 =	sshll.u32 s7, $0x1;
	s7 =	sadd.s32 s21, s5  }
0xa3: {  	[timem:s9], [sflag:s22] =	dma.local [hbm:s7], s20  }
0xa4: {  	_ =	swait.ge [sflag:s22], s20  }
0xa5: {  	s6 =	ssub.s32 $0x0, s20;
	[sflag:s22] =	ssyncset.done $0x0  }
0xa6: {  	[sflag:s22] =	ssyncadd.s32 s6;
	_ =	sdelay $0x1  }
0xa7: {  	s23 =	simm.s32 $0x1B8B  }
0xa8: {  	_ =	swait.ge [sflag:s23], $0x1  }
0xa9: {  	[sflag:s23] =	ssyncset.done $0x0  }
0xaa: {  	s25 =	simm.s32 $0x1B8E;
	s24 =	sld [smem:$0x3FFE];
	[sflag:s23] =	ssyncadd.s32 $0xFFFFFFFF  }
0xab: {  	s26 =	simm.s32 $execute0_lowered;
	[smem:$0x3FD2] =	sst s25  }
0xac: {  	s7 =	sshll.u32 s26, $0x1;
	_ =	strace $0x80000046;
	[dreg:$0x1] =	wrdreg $0xFFFFFFFF  }
0xad: {  	s28 =	simm.s32 $_size_execute0_lowered;
	s5 =	sadd.s32 s5, s7;
	[dreg:$0x0] =	wrdreg $0x0  }
0xae: {  	s7 =	sshll.u32 s28, $0x1;
	[dreg:$0x2] =	wrdreg s5  }
0xaf: {  	[dreg:$0x3] =	wrdreg s7  }
0xb0: {  	[dreg:$0x4] =	wrdreg $0xC0  }
0xb1: {  	_ =	task [dreg:s9], $0x5FFFF  }
0xb2: {  	[dreg:$0x1] =	wrdreg $0xFFFFFFFF  }
0xb3: {  	[dreg:$0x0] =	wrdreg $0x60  }
0xb4: {  	[dreg:$0x2] =	wrdreg s15  }
0xb5: {  	[dreg:$0x3] =	wrdreg s17  }
0xb6: {  	[dreg:$0x4] =	wrdreg s24  }
0xb7: {  	[dreg:$0x5] =	wrdreg s16  }
0xb8: {  	[dreg:$0x6] =	wrdreg $0x11E000  }
0xb9: {  	[dreg:$0x7] =	wrdreg $0x1BE000  }
0xba: {  	[dreg:$0x8] =	wrdreg $0x9  }
0xbb: {  	_ =	task.clear_ibuf [dreg:s9], $0x9FFFF;
	_ =	strace $0x90000046  }
0xbc: {  	s29 =	simm.s32 $0x9;
	_ =	strace $0x80000048  }
0xbd: {  	_ =	swait.ge [sflag:s29], $0x1  }
0xbe: {  	[sflag:s29] =	ssyncadd.s32 $0xFFFFFFFF  }
0xbf: {  	_ =	strace $0x90000048  }
0xc0: {  	_ =	sfence  }
0xc1: {  	s30 =	sld [smem:$0x0];
	_ =	sdelay $0x2  }
0xc2: {  	s31 =	sshll.u32 s1, $0xD;
	s1 =	sshrl.u32 s1, $0x2  }
0xc3: {  	s3 =	sand.u32 $0x4000, s31;
	s1 =	sadd.s32 s1, s30  }
0xc4: {  	s0 =	sor.u32 s3, s0;
	s1 =	sshll.u32 s1, $0x11  }
0xc5: {  	s0 =	sor.u32 s1, s0  }
0xc6: {  	s0 =	sadd.s32 $0x8F2B, s0  }
0xc7: {  	[sflag:s0] =	ssyncadd.remote.s32 $0x1  }
0xc8: {  	_ =	sfence.sel $0xFFFF  }
0xc9: {  	[dreg:$0x0] =	wrdreg $0xFFFFFFFF;
	(pc) =	sbr.abs _section_cstart, $3  }
0xca: {  	[dreg:$0x1] =	wrdreg $0xFFFFFFFF  }
0xcb: {  	_ =	task.clear_ibuf [dreg:s9], $0x2FFFF;
	_ =	strace $0x9FFFFFFF  }
0xcc: {  	(tm) =	ssettm $0x7FFFFFFF  }
0xcd: {  	_ =	shalt  }
tec
execute0_lowered:
.L_overlay_start_1:
0x0: {  	(tag) =	ssettag $0x1  }
0x1: {  	s0 =	rddreg [dreg:$0x0]  }
0x2: {  	s1 =	rddreg [dreg:$0x1]  }
0x3: {  	s2 =	rddreg [dreg:$0x2]  }
0x4: {  	s7 =	rddreg [dreg:$0x3];
	s16 =	stileid.u32  }
0x5: {  	s3 =	rddreg [dreg:$0x4];
	s8 =	smul.u32 $0x9E0, s16  }
0x6: {  	s5 =	srdreg.scid;
	s10 =	smul.u32 $0xA000, s16  }
0x7: {  	s4 =	rddreg [dreg:$0x5];
	s11 =	smul.u32 $0x280, s16  }
0x8: {  	s6 =	simm.s32 $0x0;
	s28 =	simm.s32 $0xF600;
	s13 =	smul.u32 $0x9E00, s16  }
0x9: {  	s29 =	simm.s32 $0x5;
	s30 =	simm.s32 $0x11600;
	s22 =	smul.u32 $0x2800, s16  }
0xa: {  	s5 =	sand.u32 $0x1, s5;
	[smem:$0x7FF] =	sst s6;
	s26 =	smul.u32 $0x28000, s16  }
0xb: {  	s31 =	simm.s32 $0x9E00;
	s9 =	smul.u32 $0xA0000, s5;
	_ =	strace $0x80000047  }
0xc: {  	s12 =	ssub.s32 $0x2, s5;
	s15 =	smul.u32 $0x28000, s5;
	p0 =	sne.s32 s5, $0x0  }
0xd: {  	p1 =	seq.s32 s5, $0x0;
	s8 =	sadd.s32 s8, s2;
	s14 =	sshrl.u32 s12, $0x1  }
0xe: {  	s17 =	sadd.s32 s1, s13;
	s13 =	sshrl.u32 s10, $0x2;
	s19 =	sadd.s32 $0x100, s11  }
0xf: {  	s9 =	sadd.s32 s10, s9;
	s21 =	ssub.s32 s12, s14;
	s23 =	sadd.s32 $0xC200, s8  }
0x10: {  	s8 =	sadd.s32 $0x2400, s8;
	s25 =	sadd.s32 s22, s15;
	s12 =	sshrl.u32 s26, $0x2  }
0x11: {  	s14 =	sadd.s32 $0x80, s11;
	s15 =	sadd.s32 s13, s4;
	[dreg:$0x7] =	wrdreg s23  }
0x12: {  	s20 =	sshll.u32 s19, $0x6;
	s9 =	sshrl.u32 s9, $0x3;
	[dreg:$0x8] =	wrdreg s8  }
0x13: {  	s8 =	smul.u32 $0x4F00, s16;
	s1 =	sshrl.u32 s25, $0x3;
	[dreg:$0xd] =	wrdreg s15  }
0x14: {  	s16 =	sshll.u32 s14, $0x6;
	s18 =	sshll.u32 s14, $0x4;
	s2 =	sadd.s32 s9, s2  }
0x15: {  	s1 =	sadd.s32 s7, s1;
	s9 =	smax.u32 s21, $0x1;
	s7 =	sadd.s32 s12, s3  }
0x16: {  	s21 =	sadd.s32 $0x180, s11;
	s12 =	simm.s32 $0x0;
	[dreg:$0xa] =	wrdreg s1  }
0x17: {  	s24 =	sadd.s32 $0x16000, s2;
	s2 =	sadd.s32 s10, s3;
	[dreg:$0xb] =	wrdreg s9  }
0x18: {  	s1 =	sadd.s32 s22, s4;
	[dreg:$0xc] =	wrdreg s7;
	s7 =	sadd.s32 s16, s3  }
0x19: {  	s22 =	sshll.u32 s19, $0x4;
	s23 =	sshll.u32 s21, $0x6;
	s25 =	sshll.u32 s21, $0x4  }
0x1a: {  	s14 =	sor.u32 $0x80, s8;
	s9 =	sadd.s32 $0x100, s17;
	[dreg:$0x9] =	wrdreg s24  }
0x1b: {  	s8 =	simm.s32 $0xDE00;
	s10 =	simm.s32 $0x3;
	[dreg:$0xe] =	wrdreg s7  }
0x1c: {  	s7 =	sadd.s32 s18, s4;
	s19 =	sadd.s32 s23, s3;
	s24 =	sadd.s32 $0x200, s11  }
0x1d: {  	s18 =	smov.u32 s17;
	s11 =	simm.s32 $0x2;
	[dreg:$0xf] =	wrdreg s7  }
.Ltmp0:
0x1e: {  	s7 =	sadd.s32 s20, s3;
	s26 =	sshll.u32 s24, $0x6;
	(pc) =	sbr.rel .LBB2_1-.Ltmp0, $4  }
0x1f: {  	s20 =	sadd.s32 s25, s4;
	s25 =	sshrl.u32 s1, $0x3;
	s1 =	simm.s32 $0xBE00  }
0x20: {  	[dreg:$0x10] =	wrdreg s7;
	s7 =	sadd.s32 s22, s4;
	s21 =	sadd.s32 s26, s3  }
0x21: {  	[dreg:$0x11] =	wrdreg s7;
	s7 =	sshll.u32 s24, $0x4;
	s24 =	sshrl.u32 s2, $0x3  }
0x22: {  	v1 =	vimm.f32 $0.0e+00;
	v2 =	vimm.f32 $1.000000000e+00;
	v0 =	vmov s5;
	s2 =	simm.s32 $0x80;
	s22 =	sadd.s32 s7, s4;
	s7 =	simm.s32 $0x1  }
.LBB2_10:
0x23: {  	s13 =	stileid.u32  }
0x24: {  	[bflag:$0x0] =	sbarrier.arrive $0xFFFF;
	s13 =	sshll.u32 s13, $0x6  }
0x25: {  	s15 =	rddreg [dreg:$0x9];
	s13 =	sor.u32 $0x1C05, s13  }
0x26: {  	[hbm:s15], [sflag:s13] =	dma.local [spmem:s24], $0x1400  }
0x27: {  	_ =	swait.ge [sflag:s29], $0x1400  }
0x28: {  	[sflag:s29] =	ssyncset.done $0x0  }
0x29: {  	s23 =	rddreg [dreg:$0xa];
	[sflag:s29] =	ssyncadd.s32 $0xFFFFEC00  }
0x2a: {  	[hbm:s23], [sflag:s13] =	dma.local [spmem:s25], $0x500  }
0x2b: {  	_ =	swait.ge [sflag:s29], $0x500  }
0x2c: {  	s12 =	sadd.s32 $0x1, s12;
	s26 =	rddreg [dreg:$0xb]  }
0x2d: {  	p2 =	sne.s32 s12, s26  }
.Ltmp1:
0x2e: {  	_ = 	snop;
	(pc) =	sbr.rel @!p2 .LBB2_11-.Ltmp1, $3  }
0x2f: {  	_ =	sdelay $0x1  }
0x30: {  	[sflag:s29] =	ssyncset.done $0x0  }
0x31: {  	[sflag:s29] =	ssyncadd.s32 $0xFFFFFB00  }
.LBB2_1:
0x32: {  	s13 =	simm.s32 $0xF620  }
0x33: {  	[tilespmem:s13+$0xFFFFFFE0] =	vst v1  }
0x34: {  	[tilespmem:s13+$0x10] =	vst v1  }
0x35: {  	[tilespmem:s13+$0x0] =	vst v1  }
0x36: {  	s23 =	simm.s32 $0x40;
	s15 =	simm.s32 $0x0;
	[tilespmem:s13+$0xFFFFFFF0] =	vst v1  }
.LBB2_2:
0x37: {  	p2 =	sne.s32 s23, $0x1FC0  }
0x38: {  	[tilespmem:s15+$0x11600] =	vst v1;
	s13 =	sadd.s32 $0x40, s13;
	s26 =	smov.u32 s23;
	s23 =	sadd.s32 $0x40, s23  }
.Ltmp2:
0x39: {  	[tilespmem:s15+$0xEE00] =	vst v2;
	(pc) =	sbr.rel @p2 .LBB2_2-.Ltmp2, $4  }
0x3a: {  	[tilespmem:s13+$0xFFFFFFE0] =	vst v1  }
0x3b: {  	[tilespmem:s13+$0x10] =	vst v1  }
0x3c: {  	[tilespmem:s13+$0x0] =	vst v1  }
0x3d: {  	s15 =	sshra.s32 s26, $0x2;
	[tilespmem:s13+$0xFFFFFFF0] =	vst v1  }
0x3e: {  	[tilespmem:s15+$0x11600] =	vst v1  }
0x3f: {  	[tilespmem:s15+$0xEE00] =	vst v2;
	s13 =	rddreg [dreg:$0xc]  }
0x40: {  	[spmem:s13] =	stream.linear.scatter [tilespmem:s28], [sflag:$0x5], $0x2000, $0x38;
	[tilespmem:$0x1E600] =	vst v63  }
0x41: {  	_ =	swait.ge [sflag:s29], $0x2000  }
0x42: {  	[sflag:s29] =	ssyncset.done $0x0  }
0x43: {  	s17 =	rddreg [dreg:$0xd];
	[sflag:s29] =	ssyncadd.s32 $0xFFFFE000  }
0x44: {  	[spmem:s17] =	stream.linear.scatter [tilespmem:s30], [sflag:$0x5], $0x800, $0x38;
	[tilespmem:$0x1E600] =	vst v63  }
0x45: {  	_ =	swait.ge [sflag:s29], $0x800  }
0x46: {  	[sflag:s29] =	ssyncset.done $0x0  }
0x47: {  	s23 =	rddreg [dreg:$0xe];
	[sflag:s29] =	ssyncadd.s32 $0xFFFFF800  }
0x48: {  	[spmem:s23] =	stream.linear.scatter [tilespmem:s28], [sflag:$0x5], $0x2000, $0x38;
	[tilespmem:$0x1E600] =	vst v63  }
0x49: {  	_ =	swait.ge [sflag:s29], $0x2000  }
0x4a: {  	[sflag:s29] =	ssyncset.done $0x0  }
0x4b: {  	s26 =	rddreg [dreg:$0xf];
	[sflag:s29] =	ssyncadd.s32 $0xFFFFE000  }
0x4c: {  	[spmem:s26] =	stream.linear.scatter [tilespmem:s30], [sflag:$0x5], $0x800, $0x38;
	[tilespmem:$0x1E600] =	vst v63  }
0x4d: {  	_ =	swait.ge [sflag:s29], $0x800  }
0x4e: {  	[sflag:s29] =	ssyncset.done $0x0  }
0x4f: {  	s15 =	rddreg [dreg:$0x10];
	[sflag:s29] =	ssyncadd.s32 $0xFFFFF800  }
0x50: {  	[spmem:s15] =	stream.linear.scatter [tilespmem:s28], [sflag:$0x5], $0x2000, $0x38;
	[tilespmem:$0x1E600] =	vst v63  }
0x51: {  	_ =	swait.ge [sflag:s29], $0x2000  }
0x52: {  	[sflag:s29] =	ssyncset.done $0x0  }
0x53: {  	s16 =	rddreg [dreg:$0x11];
	[sflag:s29] =	ssyncadd.s32 $0xFFFFE000  }
0x54: {  	[spmem:s16] =	stream.linear.scatter [tilespmem:s30], [sflag:$0x5], $0x800, $0x38;
	[tilespmem:$0x1E600] =	vst v63  }
0x55: {  	_ =	swait.ge [sflag:s29], $0x800  }
0x56: {  	[sflag:s29] =	ssyncset.done $0x0  }
0x57: {  	[sflag:s29] =	ssyncadd.s32 $0xFFFFF800  }
0x58: {  	[spmem:s19] =	stream.linear.scatter [tilespmem:s28], [sflag:$0x5], $0x2000, $0x38;
	[tilespmem:$0x1E600] =	vst v63  }
0x59: {  	_ =	swait.ge [sflag:s29], $0x2000  }
0x5a: {  	[sflag:s29] =	ssyncset.done $0x0  }
0x5b: {  	[sflag:s29] =	ssyncadd.s32 $0xFFFFE000  }
0x5c: {  	[spmem:s20] =	stream.linear.scatter [tilespmem:s30], [sflag:$0x5], $0x800, $0x38;
	[tilespmem:$0x1E600] =	vst v63  }
0x5d: {  	_ =	swait.ge [sflag:s29], $0x800  }
0x5e: {  	[sflag:s29] =	ssyncset.done $0x0  }
0x5f: {  	[sflag:s29] =	ssyncadd.s32 $0xFFFFF800  }
0x60: {  	[spmem:s21] =	stream.linear.scatter [tilespmem:s28], [sflag:$0x5], $0x2000, $0x38;
	[tilespmem:$0x1E600] =	vst v63  }
0x61: {  	_ =	swait.ge [sflag:s29], $0x2000  }
0x62: {  	[sflag:s29] =	ssyncset.done $0x0  }
0x63: {  	[sflag:s29] =	ssyncadd.s32 $0xFFFFE000  }
0x64: {  	[spmem:s22] =	stream.linear.scatter [tilespmem:s30], [sflag:$0x5], $0x800, $0x38;
	[tilespmem:$0x1E600] =	vst v63  }
0x65: {  	_ =	swait.ge [sflag:s29], $0x800  }
0x66: {  	[sflag:s29] =	ssyncset.done $0x0  }
0x67: {  	s17 =	rddreg [dreg:$0x7];
	[sflag:s29] =	ssyncadd.s32 $0xFFFFF800  }
0x68: {  	[tilespmem:s6], [sflag:$0x5] =	stream.linear.gather [hbm4b:s17+s6], $0x4F00, $0x38;
	[tilespmem:$0x1E600] =	vst v63  }
0x69: {  	_ =	swait.ge [sflag:s29], $0x4F00  }
0x6a: {  	[sflag:s29] =	ssyncset.done $0x0  }
0x6b: {  	s26 =	simm.s32 $0x4F00;
	s23 =	rddreg [dreg:$0x8];
	[sflag:s29] =	ssyncadd.s32 $0xFFFFB100  }
0x6c: {  	[tilespmem:s26], [sflag:$0x5] =	stream.linear.gather [hbm4b:s23+s6], $0x4F00, $0x38;
	[tilespmem:$0x1E600] =	vst v63  }
0x6d: {  	_ =	swait.ge [sflag:s29], $0x4F00  }
0x6e: {  	[sflag:s29] =	ssyncset.done $0x0  }
0x6f: {  	s23 =	simm.s32 $0x70;
	[sflag:s29] =	ssyncadd.s32 $0xFFFFB100  }
0x70: {  	v3 =	vld [tilespmem:s23+$0xFFFFFF90];
	_ =	sdelay $0x1  }
0x71: {  	v4 =	vld [tilespmem:s23+$0xFFFFFFA0]  }
0x72: {  	v5 =	vld [tilespmem:s23+$0xFFFFFFB0]  }
0x73: {  	v7 =	vld [tilespmem:s23+$0xFFFFFFC0]  }
0x74: {  	v8 =	vld [tilespmem:s23+$0xFFFFFFD0];
	v3 =	vshll.u32 v3, $0x1  }
0x75: {  	v9 =	vld [tilespmem:s23+$0xFFFFFFE0];
	v3 =	vor.u32 v0, v3  }
0x76: {  	v10 =	vld [tilespmem:s23+$0x0];
	[tilespmem:s23+$0xFFFFFF90] =	vst v3;
	v3 =	vshll.u32 v4, $0x1  }
0x77: {  	s13 =	simm.s32 $0xF0;
	v11 =	vld [tilespmem:s23+$0xFFFFFFF0];
	v4 =	vshll.u32 v5, $0x1;
	v3 =	vor.u32 v0, v3  }
0x78: {  	v12 =	vld [tilespmem:s13+$0xFFFFFF90];
	[tilespmem:s23+$0xFFFFFFA0] =	vst v3;
	v3 =	vor.u32 v0, v4;
	v4 =	vshll.u32 v7, $0x1  }
0x79: {  	v5 =	vshll.u32 v8, $0x1;
	v6 =	vld [tilespmem:s13+$0xFFFFFFA0];
	[tilespmem:s23+$0xFFFFFFB0] =	vst v3;
	v3 =	vor.u32 v0, v4  }
0x7a: {  	v5 =	vor.u32 v0, v5;
	v7 =	vshll.u32 v9, $0x1;
	v4 =	vld [tilespmem:s13+$0xFFFFFFB0];
	[tilespmem:s23+$0xFFFFFFC0] =	vst v3  }
0x7b: {  	v8 =	vshll.u32 v10, $0x1;
	v7 =	vor.u32 v0, v7;
	v3 =	vld [tilespmem:s13+$0xFFFFFFC0];
	[tilespmem:s23+$0xFFFFFFD0] =	vst v5  }
0x7c: {  	v10 =	vor.u32 v0, v8;
	v9 =	vshll.u32 v11, $0x1;
	v5 =	vld [tilespmem:s13+$0xFFFFFFD0];
	[tilespmem:s23+$0xFFFFFFE0] =	vst v7  }
0x7d: {  	s26 =	simm.s32 $0x5C0;
	v9 =	vor.u32 v0, v9;
	v8 =	vshll.u32 v12, $0x1;
	v7 =	vld [tilespmem:s13+$0xFFFFFFE0];
	[tilespmem:s23+$0x0] =	vst v10  }
.LBB2_4:
0x7e: {  	p2 =	sne.s32 s26, $0x13BC0;
	v8 =	vor.u32 v0, v8;
	v6 =	vshll.u32 v6, $0x1;
	v10 =	vld [tilespmem:s13+$0x0];
	[tilespmem:s23+$0xFFFFFFF0] =	vst v9;
	s23 =	smov.u32 s13  }
0x7f: {  	s13 =	sshra.s32 s26, $0x2;
	[tilespmem:s23+$0xFFFFFF90] =	vst v8;
	v6 =	vor.u32 v0, v6;
	v4 =	vshll.u32 v4, $0x1;
	v8 =	vld [tilespmem:s23+$0xFFFFFFF0]  }
0x80: {  	v9 =	vld [tilespmem:s13+$0xFFFFFF90];
	[tilespmem:s23+$0xFFFFFFA0] =	vst v6;
	v4 =	vor.u32 v0, v4;
	v3 =	vshll.u32 v3, $0x1  }
.Ltmp3:
0x81: {  	v6 =	vld [tilespmem:s13+$0xFFFFFFA0];
	[tilespmem:s23+$0xFFFFFFB0] =	vst v4;
	v3 =	vor.u32 v0, v3;
	v5 =	vshll.u32 v5, $0x1;
	(pc) =	sbr.rel @p2 .LBB2_4-.Ltmp3, $4  }
0x82: {  	v4 =	vld [tilespmem:s13+$0xFFFFFFB0];
	[tilespmem:s23+$0xFFFFFFC0] =	vst v3;
	v5 =	vor.u32 v0, v5;
	v7 =	vshll.u32 v7, $0x1  }
0x83: {  	v3 =	vld [tilespmem:s13+$0xFFFFFFC0];
	[tilespmem:s23+$0xFFFFFFD0] =	vst v5;
	v7 =	vor.u32 v0, v7;
	v10 =	vshll.u32 v10, $0x1  }
0x84: {  	v5 =	vld [tilespmem:s13+$0xFFFFFFD0];
	[tilespmem:s23+$0xFFFFFFE0] =	vst v7;
	v11 =	vshll.u32 v8, $0x1;
	v10 =	vor.u32 v0, v10  }
0x85: {  	s26 =	sadd.s32 $0x200, s26;
	v8 =	vshll.u32 v9, $0x1;
	v7 =	vld [tilespmem:s13+$0xFFFFFFE0];
	v9 =	vor.u32 v0, v11;
	[tilespmem:s23+$0x0] =	vst v10  }
0x86: {  	v10 =	vld [tilespmem:s13+$0x0];
	v8 =	vor.u32 v0, v8;
	[tilespmem:s23+$0xFFFFFFF0] =	vst v9;
	v6 =	vshll.u32 v6, $0x1  }
0x87: {  	[tilespmem:s13+$0xFFFFFF90] =	vst v8;
	v6 =	vor.u32 v0, v6;
	v4 =	vshll.u32 v4, $0x1;
	v60 =	vld [tilespmem:s13+$0xFFFFFFF0]  }
0x88: {  	[tilespmem:s13+$0xFFFFFFA0] =	vst v6;
	v4 =	vor.u32 v0, v4;
	v3 =	vshll.u32 v3, $0x1  }
0x89: {  	[tilespmem:s13+$0xFFFFFFB0] =	vst v4;
	v3 =	vor.u32 v0, v3;
	v61 =	vshll.u32 v5, $0x1  }
0x8a: {  	[tilespmem:s13+$0xFFFFFFC0] =	vst v3;
	v3 =	vor.u32 v0, v61;
	v62 =	vshll.u32 v7, $0x1  }
0x8b: {  	[tilespmem:s13+$0xFFFFFFD0] =	vst v3;
	v3 =	vor.u32 v0, v62;
	v63 =	vshll.u32 v10, $0x1  }
0x8c: {  	[tilespmem:s13+$0xFFFFFFE0] =	vst v3;
	v3 =	vshll.u32 v60, $0x1;
	v4 =	vor.u32 v0, v63  }
0x8d: {  	v3 =	vor.u32 v0, v3;
	[tilespmem:s13+$0x0] =	vst v4  }
0x8e: {  	[tilespmem:s13+$0xFFFFFFF0] =	vst v3  }
.Ltmp4:
0x8f: {  	[bflag:$0x0] =	sbarrier.arrive $0xFFFF;
	(pc) =	sbr.rel .LBB2_6-.Ltmp4, $4  }
0x90: {  	[tilespmem:s31], [sflag:$0x1] =	stream.indirect.gather [hbm4b:s0+s2], $0x40, s6, s2, $0xb8;
	[tilespmem:$0x1E600] =	vst v63  }
0x91: {  	s15 =	simm.s32 @!p0 $0xDE00;
	s13 =	simm.s32 @!p0 $0x0  }
0x92: {  	[tilespmem:s15], [sflag:$0x1] =	stream.linear.gather @!p0 [hbm4b:s18+s13], $0x800, $0x38;
	[tilespmem:$0x1E600] =	vst v63  }
0x93: {  	s26 =	smov.u32 s9;
	s23 =	smov.u32 s14;
	s13 =	simm.s32 $0x0  }
.LBB2_8:
0x94: {  	_ =	swait.ge [sflag:s7], $0x800  }
0x95: {  	[sflag:s7] =	ssyncset.done $0x0  }
0x96: {  	s15 =	sadd.s32 $0x4F00, s15;
	[sflag:s7] =	ssyncadd.s32 $0xFFFFF800  }
0x97: {  	[spmem:s3] =	stream.indirect.scatter.add.f32 [tilespmem:s31], [sflag:$0x3], $0x40, s15, s2, $0xb8;
	[tilespmem:$0x1E600] =	vst v63  }
0x98: {  	_ = 	snop  }
0x99: {  	[spmem:s4] =	stream.indirect.scatter.add.f32 [tilespmem:s8], [sflag:$0x3], $0x10, s15, s2, $0xb8;
	[tilespmem:$0x1E600] =	vst v63  }
0x9a: {  	_ =	swait.ge [sflag:s10], $0x2000  }
0x9b: {  	[sflag:s10] =	ssyncset.done $0x0  }
0x9c: {  	[sflag:s10] =	ssyncadd.s32 $0xFFFFE000  }
0x9d: {  	_ =	swait.ge [sflag:s10], $0x800  }
0x9e: {  	[sflag:s10] =	ssyncset.done $0x0  }
0x9f: {  	[sflag:s10] =	ssyncadd.s32 $0xFFFFF800  }
.LBB2_9:
0xa0: {  	p3 =	seq.s32 s13, $0x13800  }
0xa1: {  	p4 =	sne.s32 @!p3 s5, $0x0;
	s15 =	sshra.s32 @!p3 s13, $0x2  }
0xa2: {  	s16 =	simm.s32 @!p3 $0x80;
	s17 =	simm.s32 @!p3 $0x9E00;
	s15 =	sadd.s32 @!p3 $0x100, s15  }
0xa3: {  	[tilespmem:s17], [sflag:$0x1] =	stream.indirect.gather @!p3 [hbm4b:s0+s16], $0x40, s15, s16, $0xb8;
	[tilespmem:$0x1E600] =	vst v63  }
0xa4: {  	p5 =	por p4, p3;
	s15 =	sadd.s32 @!p3 $0x80, s23  }
0xa5: {  	p5 =	sgt.u32 @!p5 s15, $0x4E180  }
0xa6: {  	p4 =	por @!p3 p5, p4  }
0xa7: {  	p3 =	por p4, p3  }
0xa8: {  	s15 =	sadd.s32 @!p3 $0x100, s26;
	s16 =	simm.s32 @!p3 $0x0;
	s17 =	simm.s32 @!p3 $0xDE00  }
0xa9: {  	[tilespmem:s17], [sflag:$0x1] =	stream.linear.gather @!p3 [hbm4b:s15+s16], $0x800, $0x38;
	[tilespmem:$0x1E600] =	vst v63  }
0xaa: {  	_ =	swait.ge [sflag:s11], $0x2000  }
0xab: {  	[sflag:s11] =	ssyncset.done $0x0  }
0xac: {  	s15 =	simm.s32 @p2 $0x2;
	[sflag:s11] =	ssyncadd.s32 $0xFFFFE000  }
0xad: {  	_ =	swait.ge @p2 [sflag:s15], $0x800  }
0xae: {  	[sflag:s15] =	ssyncset.done @p2 $0x0  }
0xaf: {  	[sflag:s15] =	ssyncadd.s32 @p2 $0xFFFFF800;
	s15 =	sshra.s32 @p2 s13, $0x2  }
0xb0: {  	s16 =	simm.s32 @p2 $0x80;
	s17 =	simm.s32 @p2 $0xBE00;
	s15 =	sadd.s32 @p2 $0x4F80, s15  }
0xb1: {  	[spmem:s3] =	stream.indirect.scatter.add.f32 @p2 [tilespmem:s17], [sflag:$0x4], $0x40, s15, s16, $0xb8;
	[tilespmem:$0x1E600] =	vst v63  }
0xb2: {  	s17 =	simm.s32 @p2 $0xE600  }
0xb3: {  	[spmem:s4] =	stream.indirect.scatter.add.f32 @p2 [tilespmem:s17], [sflag:$0x4], $0x10, s15, s16, $0xb8;
	[tilespmem:$0x1E600] =	vst v63  }
0xb4: {  	s15 =	simm.s32 @p2 $0x4  }
0xb5: {  	_ =	swait.ge @p2 [sflag:s15], $0x2000  }
0xb6: {  	[sflag:s15] =	ssyncset.done @p2 $0x0  }
0xb7: {  	[sflag:s15] =	ssyncadd.s32 @p2 $0xFFFFE000  }
0xb8: {  	_ =	swait.ge @p2 [sflag:s15], $0x800  }
0xb9: {  	p3 =	sne.s32 @!p2 s5, $0x0;
	[sflag:s15] =	ssyncset.done @p2 $0x0  }
0xba: {  	p4 =	por !p3, p2;
	[sflag:s15] =	ssyncadd.s32 @p2 $0xFFFFF800;
	s15 =	sshra.s32 @!p2 s13, $0x2  }
0xbb: {  	s16 =	simm.s32 @!p2 $0x80;
	s17 =	simm.s32 @!p2 $0xBE00;
	s15 =	sadd.s32 @!p2 $0x4F80, s15  }
0xbc: {  	[spmem:s3] =	stream.indirect.scatter.add.f32 @!p2 [tilespmem:s17], [sflag:$0x4], $0x40, s15, s16, $0xb8;
	[tilespmem:$0x1E600] =	vst v63  }
0xbd: {  	s16 =	simm.s32 @!p4 $0x80;
	s17 =	simm.s32 @!p4 $0xEE00  }
0xbe: {  	[spmem:s4] =	stream.indirect.scatter.add.f32 @!p4 [tilespmem:s17], [sflag:$0x4], $0x10, s15, s16, $0xb8;
	[tilespmem:$0x1E600] =	vst v63  }
0xbf: {  	s15 =	simm.s32 @!p4 $0x4  }
0xc0: {  	_ =	swait.ge @!p4 [sflag:s15], $0x2000  }
0xc1: {  	[sflag:s15] =	ssyncset.done @!p4 $0x0  }
0xc2: {  	s13 =	sadd.s32 $0x400, s13;
	[sflag:s15] =	ssyncadd.s32 @!p4 $0xFFFFE000  }
0xc3: {  	p2 =	por p3, p2;
	p3 =	sne.s32 s13, $0x13C00;
	_ =	swait.ge @!p4 [sflag:s15], $0x800  }
.Ltmp5:
0xc4: {  	[sflag:s15] =	ssyncset.done @!p4 $0x0;
	(pc) =	sbr.rel @!p3 .LBB2_10-.Ltmp5, $4  }
0xc5: {  	[sflag:s15] =	ssyncadd.s32 @!p4 $0xFFFFF800;
	s15 =	simm.s32 @!p2 $0x4  }
0xc6: {  	_ =	swait.ge @!p2 [sflag:s15], $0x2000  }
0xc7: {  	[sflag:s15] =	ssyncset.done @!p2 $0x0  }
0xc8: {  	s23 =	sadd.s32 $0x100, s23;
	s26 =	sadd.s32 $0x200, s26;
	[sflag:s15] =	ssyncadd.s32 @!p2 $0xFFFFE000  }
.LBB2_6:
0xc9: {  	s15 =	sshra.s32 s13, $0x2;
	p2 =	slt.u32 s23, $0x4E181  }
0xca: {  	p3 =	slt.u32 @!p0 s23, $0x4E201;
	s16 =	sadd.s32 $0x80, s15;
	p2 =	por !p1, !p2  }
0xcb: {  	[tilespmem:s1], [sflag:$0x2] =	stream.indirect.gather [hbm4b:s0+s2], $0x40, s16, s2, $0xb8;
	[tilespmem:$0x1E600] =	vst v63  }
0xcc: {  	p3 =	por p0, !p3;
	p2 =	por !p2, !p2  }
.Ltmp6:
0xcd: {  	s16 =	simm.s32 @p2 $0x0;
	s17 =	simm.s32 @p2 $0xE600;
	(pc) =	sbr.rel @!p3 .LBB2_8-.Ltmp6, $4  }
0xce: {  	[tilespmem:s17], [sflag:$0x2] =	stream.linear.gather @p2 [hbm4b:s26+s16], $0x800, $0x38;
	[tilespmem:$0x1E600] =	vst v63  }
0xcf: {  	_ =	swait.ge [sflag:s7], $0x2000  }
0xd0: {  	[sflag:s7] =	ssyncset.done $0x0  }
0xd1: {  	[sflag:s7] =	ssyncadd.s32 $0xFFFFE000  }
0xd2: {  	s15 =	sadd.s32 $0x4F00, s15  }
0xd3: {  	[spmem:s3] =	stream.indirect.scatter.add.f32 [tilespmem:s31], [sflag:$0x3], $0x40, s15, s2, $0xb8;
	[tilespmem:$0x1E600] =	vst v63  }
0xd4: {  	s16 =	simm.s32 @p0 $0x80;
	s17 =	simm.s32 @p0 $0xEE00  }
0xd5: {  	[spmem:s4] =	stream.indirect.scatter.add.f32 @p0 [tilespmem:s17], [sflag:$0x3], $0x10, s15, s16, $0xb8;
	[tilespmem:$0x1E600] =	vst v63  }
0xd6: {  	s15 =	simm.s32 @p0 $0x3  }
0xd7: {  	_ =	swait.ge @p0 [sflag:s15], $0x2000  }
0xd8: {  	[sflag:s15] =	ssyncset.done @p0 $0x0  }
0xd9: {  	[sflag:s15] =	ssyncadd.s32 @p0 $0xFFFFE000  }
0xda: {  	_ =	swait.ge @p0 [sflag:s15], $0x800  }
.Ltmp7:
0xdb: {  	[sflag:s15] =	ssyncset.done @p0 $0x0;
	(pc) =	sbr.rel .LBB2_9-.Ltmp7, $4  }
0xdc: {  	[sflag:s15] =	ssyncadd.s32 @p0 $0xFFFFF800;
	s15 =	simm.s32 @!p0 $0x3  }
0xdd: {  	_ =	swait.ge @!p0 [sflag:s15], $0x2000  }
0xde: {  	[sflag:s15] =	ssyncset.done @!p0 $0x0  }
0xdf: {  	[sflag:s15] =	ssyncadd.s32 @!p0 $0xFFFFE000  }
.LBB2_11:
0xe0: {  	_ =	sfence.sel $0x180000  }
0xe1: {  	[bflag:$0x0] =	sbarrier.arrive $0xFFFF  }
0xe2: {  	_ =	strace $0x90000047  }
0xe3: {  	s0 =	stileid.u32;
	[bflag:$0x2] =	sbarrier.arrive $0xFFFF  }
0xe4: {  	p0 =	sne.s32 s0, $0x0;
	s0 =	rddreg [dreg:$0x6]  }
0xe5: {  	s0 =	sadd.s32 @!p0 $0x100000, s0  }
0xe6: {  	[sflag:s0] =	ssyncadd.tile.s32 @!p0 $0x1;
	_ =	shalt  }
.Lfunc_end2:
_tile_overlayer_lowered:
.L_overlay_start_2:
0xe7: {  	(tag) =	ssettag $0x2  }
0xe8: {  	s0 =	rddreg [dreg:$0x0];
	s2 =	stileid.u32  }
0xe9: {  	s1 =	rddreg [dreg:$0x1];
	p0 =	sne.s32 s2, $0x0  }
0xea: {  	s3 =	rddreg [dreg:$0x2];
	[bflag:$0x3] =	sbarrier.arrive $0xFFFF;
	s2 =	simm.s32 @!p0 $0x1C05  }
0xeb: {  	[timem:s3], [sflag:s2] =	dma.local @!p0 [hbm:s0], s1  }
0xec: {  	s0 =	simm.s32 @!p0 $0x5  }
0xed: {  	_ =	swait.ge @!p0 [sflag:s0], s1  }
0xee: {  	s1 =	ssub.s32 @!p0 $0x0, s1;
	[sflag:s0] =	ssyncset.done @!p0 $0x0  }
0xef: {  	[sflag:s0] =	ssyncadd.s32 @!p0 s1  }
0xf0: {  	[bflag:$0x3] =	sbarrier.arrive $0xFFFF  }
0xf1: {  	_ =	shalt  }

// kernel: kernel.9.cloned.1.call-start
scs
__scs_entry_jumppad:
0x0: {  	(pc) =	sbr.rel $0x88, $3  }
0x1: {  	(tag) =	ssettag $0x0;
	lr =	simm.s32 $0x1  }
0x2: {  	[smem:$0x3F9A] =	sst lr;
	_ =	strace $0xD0000000  }
0x3: {  	_ = 	snop  }
0x4: {  	_ = 	snop  }
0x5: {  	_ = 	snop  }
0x6: {  	_ = 	snop  }
0x7: {  	_ = 	snop  }
__scs_overlays_trampoline_lowered:
0x8: {  	[smem:$0x3FA9] =	sst s0  }
0x9: {  	[smem:$0x3FAA] =	sst s1  }
0xa: {  	[smem:$0x3FAB] =	sst s2  }
0xb: {  	[smem:$0x3FAC] =	sst s3  }
0xc: {  	[smem:$0x3FAD] =	sst s4  }
0xd: {  	[smem:$0x3FAE] =	sst s5  }
0xe: {  	[smem:$0x3FAF] =	sst s6  }
0xf: {  	[smem:$0x3FB0] =	sst s7  }
0x10: {  	[smem:$0x3FB1] =	sst s8  }
0x11: {  	[smem:$0x3FB2] =	sst s9;
	s0 =	simm.s32 @!p0 $0x0  }
0x12: {  	s1 =	sld [smem:$0x3F98];
	s0 =	simm.s32 @p0 $0x1  }
0x13: {  	[smem:$0x3FB3] =	sst s0;
	s0 =	simm.s32 @!p1 $0x0  }
0x14: {  	s2 =	sld [smem:$0x3F97];
	s0 =	simm.s32 @p1 $0x1  }
0x15: {  	[smem:$0x3FB4] =	sst s0;
	s0 =	simm.s32 @!p2 $0x0  }
0x16: {  	s3 =	sld [smem:$0x3FDB];
	s0 =	simm.s32 @p2 $0x1  }
0x17: {  	s4 =	simm.s32 $0x1BF5;
	[smem:$0x3FB6] =	sst s0  }
0x18: {  	s0 =	sld [smem:$0x3F99];
	_ =	swait.ge [sflag:s4], $0x0  }
0x19: {  	s7 =	sld [smem:$0x3F9A]  }
0x1a: {  	s8 =	sadd.s32 $0xFFFFE003, lr  }
0x1b: {  	s9 =	sadd.s32 $0xFFFFFEF7, lr;
	s5 =	simm.s32 $0xFFFFFFFF;
	p2 =	slt.u32 s8, $0xFFFFF086  }
0x1c: {  	p1 =	slt.u32 s9, $0xF7A;
	s5 =	simm.s32 @!p2 $0x0  }
0x1d: {  	s5 =	simm.s32 @p1 $0x1;
	p0 =	seq.s32 s7, s2  }
0x1e: {  	s7 =	smul.u32 @!p0 $0xF7A, s2;
	p2 =	seq.s32 @!p0 s5, $0x0  }
0x1f: {  	s9 =	smul.u32 $0xF7A, s1;
	s8 =	simm.s32 @!p0 $0x1BF5;
	p2 =	por !p2, p0  }
0x20: {  	[sflag:s8] =	ssyncset.s32 @!p0 $0xFFFFF086;
	s6 =	sadd.s32 @!p0 s3, s7;
	s7 =	simm.s32 @!p0 $0x108  }
0x21: {  	s3 =	sadd.s32 s3, s9;
	s6 =	sadd.s32 @!p0 $0x88, s6;
	s7 =	simm.s32 @p2 $0x1082  }
0x22: {  	[simem:s7], [sflag:s8] =	dma.local @!p0 [hbm:s6], $0xF7A  }
0x23: {  	s9 =	sor.u32 $0xD0000000, s2;
	s6 =	simm.s32 $0x108;
	_ =	swait.ge @!p0 [sflag:s8], $0x0  }
0x24: {  	s3 =	sadd.s32 $0x88, s3;
	s6 =	simm.s32 @!p1 $0x1082;
	[sflag:s4] =	ssyncset.s32 $0xFFFFF086  }
0x25: {  	[simem:s6], [sflag:s4] =	dma.local [hbm:s3], $0xF7A  }
0x26: {  	[smem:$0x3F9A] =	sst s1;
	(tag) =	ssettag s2;
	_ =	strace s9  }
0x27: {  	s1 =	sld [smem:$0x3FAA]  }
0x28: {  	s2 =	sld [smem:$0x3FAB]  }
0x29: {  	s4 =	sld [smem:$0x3FAD]  }
0x2a: {  	p0 =	seq.s32 s5, $0x0;
	s5 =	sld [smem:$0x3FAE]  }
0x2b: {  	s6 =	sld [smem:$0x3FAF]  }
0x2c: {  	s7 =	sld [smem:$0x3FB0]  }
0x2d: {  	s3 =	simm.s32 $0x108;
	s8 =	sld [smem:$0x3FB1]  }
0x2e: {  	s3 =	simm.s32 @!p0 $0x1082;
	s9 =	sld [smem:$0x3FB2]  }
0x2f: {  	lr =	sadd.s32 s0, s3;
	s0 =	sld [smem:$0x3FA9]  }
0x30: {  	s3 =	sld [smem:$0x3FAC]  }
0x31: {  	[smem:$0x3FB5] =	sst s10  }
0x32: {  	s10 =	sld [smem:$0x3FB3];
	_ =	sdelay $0x3  }
0x33: {  	p0 =	seq.s32 s10, $0x1;
	s10 =	sld [smem:$0x3FB5];
	_ =	sdelay $0x3  }
0x34: {  	[smem:$0x3FB5] =	sst s10  }
0x35: {  	s10 =	sld [smem:$0x3FB4];
	_ =	sdelay $0x3  }
0x36: {  	p1 =	seq.s32 s10, $0x1;
	s10 =	sld [smem:$0x3FB5];
	_ =	sdelay $0x3  }
0x37: {  	[smem:$0x3FB5] =	sst s10  }
0x38: {  	s10 =	sld [smem:$0x3FB6]  }
0x39: {  	_ = 	snop;
	(pc) =	sbr.ind lr, $3  }
0x3a: {  	_ = 	snop  }
0x3b: {  	_ = 	snop  }
0x3c: {  	p2 =	seq.s32 s10, $0x1;
	s10 =	sld [smem:$0x3FB5]  }
0x3d: {  	_ =	shalt  }
0x3e: {  	_ =	shalt  }
0x3f: {  	_ =	shalt  }
0x40: {  	_ =	shalt  }
0x41: {  	_ =	shalt  }
0x42: {  	_ =	shalt  }
0x43: {  	_ =	shalt  }
0x44: {  	_ =	shalt  }
0x45: {  	_ =	shalt  }
0x46: {  	_ =	shalt  }
0x47: {  	_ =	shalt  }
0x48: {  	_ =	shalt  }
0x49: {  	_ =	shalt  }
0x4a: {  	_ =	shalt  }
0x4b: {  	_ =	shalt  }
0x4c: {  	_ =	shalt  }
0x4d: {  	_ =	shalt  }
0x4e: {  	_ =	shalt  }
0x4f: {  	_ =	shalt  }
0x50: {  	_ =	shalt  }
0x51: {  	_ =	shalt  }
0x52: {  	_ =	shalt  }
0x53: {  	_ =	shalt  }
0x54: {  	_ =	shalt  }
0x55: {  	_ =	shalt  }
0x56: {  	_ =	shalt  }
0x57: {  	_ =	shalt  }
0x58: {  	_ =	shalt  }
0x59: {  	_ =	shalt  }
0x5a: {  	_ =	shalt  }
0x5b: {  	_ =	shalt  }
0x5c: {  	_ =	shalt  }
0x5d: {  	_ =	shalt  }
0x5e: {  	_ =	shalt  }
0x5f: {  	_ =	shalt  }
0x60: {  	_ =	shalt  }
0x61: {  	_ =	shalt  }
0x62: {  	_ =	shalt  }
0x63: {  	_ =	shalt  }
0x64: {  	_ =	shalt  }
0x65: {  	_ =	shalt  }
0x66: {  	_ =	shalt  }
0x67: {  	_ =	shalt  }
0x68: {  	_ =	shalt  }
0x69: {  	_ =	shalt  }
0x6a: {  	_ =	shalt  }
0x6b: {  	_ =	shalt  }
0x6c: {  	_ =	shalt  }
0x6d: {  	_ =	shalt  }
0x6e: {  	_ =	shalt  }
0x6f: {  	_ =	shalt  }
0x70: {  	_ =	shalt  }
0x71: {  	_ =	shalt  }
0x72: {  	_ =	shalt  }
0x73: {  	_ =	shalt  }
0x74: {  	_ =	shalt  }
0x75: {  	_ =	shalt  }
0x76: {  	_ =	shalt  }
0x77: {  	_ =	shalt  }
0x78: {  	_ =	shalt  }
0x79: {  	_ =	shalt  }
0x7a: {  	_ =	shalt  }
0x7b: {  	_ =	shalt  }
0x7c: {  	_ =	shalt  }
0x7d: {  	_ =	shalt  }
0x7e: {  	_ =	shalt  }
0x7f: {  	_ =	shalt  }
0x80: {  	_ =	shalt  }
0x81: {  	_ =	shalt  }
0x82: {  	_ =	shalt  }
0x83: {  	_ =	shalt  }
0x84: {  	_ =	shalt  }
0x85: {  	_ =	shalt  }
0x86: {  	_ =	shalt  }
0x87: {  	_ =	shalt  }
.Lfunc_end0:
.L_simem_size_0:
called_computation.1_lowered:
.L_overlay_start_0:
0x88: {  	s2 =	sld [smem:$0x3FD9]  }
0x89: {  	s3 =	sld [smem:$0x3FFE];
	_ =	sdelay $0x1  }
0x8a: {  	s1 =	srdreg.scid  }
0x8b: {  	s0 =	sand.u32 $0x1, s1  }
0x8c: {  	s14 =	sshll.u32 s0, $0xA;
	s2 =	sadd.s32 s3, s2  }
0x8d: {  	s2 =	sadd.s32 s2, s14  }
0x8e: {  	[smem:$0x3FC1] =	sst s2  }
0x8f: {  	_ = 	snop  }
0x90: {  	s2 =	sld [smem:$0x3FD0];
	_ =	sdelay $0x2  }
0x91: {  	s15 =	simm.s32 $0xA;
	s4 =	simm.s32 $0x10  }
0x92: {  	[smem:s4], [sflag:s15] =	dma.local [hbm:s2], $0x1  }
0x93: {  	_ =	swait.eq [sflag:s15], $0x1  }
0x94: {  	[sflag:s15] =	ssyncset.done $0x0  }
0x95: {  	[sflag:s15] =	ssyncadd.s32 $0xFFFFFFFF  }
0x96: {  	s16 =	sld [smem:$0x11];
	(tm) =	ssettm $0x1  }
0x97: {  	s17 =	sld [smem:$0x3FFB];
	_ =	sdelay $0x3  }
0x98: {  	_ =	strace s17  }
0x99: {  	s3 =	sld [smem:$0x3FFC];
	_ =	sdelay $0x3  }
0x9a: {  	_ =	strace s3  }
0x9b: {  	s3 =	sld [smem:$0x3FFD];
	_ =	sdelay $0x3  }
0x9c: {  	_ =	strace s3  }
0x9d: {  	_ =	strace $0x8FFFFFFF  }
0x9e: {  	s18 =	sld [smem:$0x3FDB];
	_ =	sdelay $0x1  }
0x9f: {  	s19 =	simm.s32 $_scs_section_size  }
0xa0: {  	s5 =	simm.s32 $_size__tile_overlayer_lowered;
	s6 =	simm.s32 $_tile_overlayer_lowered  }
0xa1: {  	s22 =	simm.s32 $0x1BFF;
	s21 =	sshll.u32 s6, $0x1;
	s3 =	sadd.s32 s19, s18  }
0xa2: {  	s7 =	simm.s32 $0x0;
	s20 =	sshll.u32 s5, $0x1;
	s5 =	sadd.s32 s21, s3  }
0xa3: {  	[timem:s7], [sflag:s22] =	dma.local [hbm:s5], s20  }
0xa4: {  	_ =	swait.ge [sflag:s22], s20  }
0xa5: {  	s4 =	ssub.s32 $0x0, s20;
	[sflag:s22] =	ssyncset.done $0x0  }
0xa6: {  	[sflag:s22] =	ssyncadd.s32 s4;
	_ =	sdelay $0x1  }
0xa7: {  	s23 =	simm.s32 $0x1B8B  }
0xa8: {  	_ =	swait.ge [sflag:s23], $0x1  }
0xa9: {  	[sflag:s23] =	ssyncset.done $0x0  }
0xaa: {  	s25 =	simm.s32 $0x1B8E;
	s24 =	sld [smem:$0x3FFE];
	[sflag:s23] =	ssyncadd.s32 $0xFFFFFFFF  }
0xab: {  	s26 =	simm.s32 $execute0_lowered;
	[smem:$0x3FD2] =	sst s25  }
0xac: {  	s5 =	sshll.u32 s26, $0x1;
	_ =	strace $0x80000049;
	[dreg:$0x1] =	wrdreg $0xFFFFFFFF  }
0xad: {  	s28 =	simm.s32 $_size_execute0_lowered;
	s3 =	sadd.s32 s3, s5;
	[dreg:$0x0] =	wrdreg $0x0  }
0xae: {  	s5 =	sshll.u32 s28, $0x1;
	[dreg:$0x2] =	wrdreg s3  }
0xaf: {  	[dreg:$0x3] =	wrdreg s5  }
0xb0: {  	[dreg:$0x4] =	wrdreg $0xC0  }
0xb1: {  	_ =	task [dreg:s7], $0x5FFFF  }
0xb2: {  	[dreg:$0x1] =	wrdreg $0xFFFFFFFF  }
0xb3: {  	[dreg:$0x0] =	wrdreg $0x60  }
0xb4: {  	[dreg:$0x2] =	wrdreg s16  }
0xb5: {  	[dreg:$0x3] =	wrdreg s24  }
0xb6: {  	[dreg:$0x4] =	wrdreg $0x9  }
0xb7: {  	_ =	task.clear_ibuf [dreg:s7], $0x5FFFF;
	_ =	strace $0x90000049  }
0xb8: {  	s29 =	simm.s32 $0x9;
	_ =	strace $0x8000004B  }
0xb9: {  	_ =	swait.ge [sflag:s29], $0x1  }
0xba: {  	[sflag:s29] =	ssyncadd.s32 $0xFFFFFFFF  }
0xbb: {  	_ =	strace $0x9000004B  }
0xbc: {  	_ =	sfence  }
0xbd: {  	s30 =	sld [smem:$0x0];
	_ =	sdelay $0x2  }
0xbe: {  	s31 =	sshll.u32 s1, $0xD;
	s1 =	sshrl.u32 s1, $0x2  }
0xbf: {  	s3 =	sand.u32 $0x4000, s31;
	s1 =	sadd.s32 s1, s30  }
0xc0: {  	s0 =	sor.u32 s3, s0;
	s1 =	sshll.u32 s1, $0x11  }
0xc1: {  	s0 =	sor.u32 s1, s0  }
0xc2: {  	s0 =	sadd.s32 $0x8F2B, s0  }
0xc3: {  	[sflag:s0] =	ssyncadd.remote.s32 $0x1  }
0xc4: {  	_ =	sfence.sel $0xFFFF  }
0xc5: {  	[dreg:$0x0] =	wrdreg $0xFFFFFFFF;
	(pc) =	sbr.abs _section_cstart, $3  }
0xc6: {  	[dreg:$0x1] =	wrdreg $0xFFFFFFFF  }
0xc7: {  	_ =	task.clear_ibuf [dreg:s7], $0x2FFFF;
	_ =	strace $0x9FFFFFFF  }
0xc8: {  	(tm) =	ssettm $0x7FFFFFFF  }
0xc9: {  	_ =	shalt  }
tec
execute0_lowered:
.L_overlay_start_1:
0x0: {  	(tag) =	ssettag $0x1  }
0x1: {  	s1 =	rddreg [dreg:$0x0]  }
0x2: {  	s4 =	rddreg [dreg:$0x1]  }
0x3: {  	s2 =	simm.s32 $0x0;
	s5 =	srdreg.scid;
	s0 =	stileid.u32  }
0x4: {  	s12 =	simm.s32 $0x4F00;
	s14 =	simm.s32 $0x1;
	s15 =	simm.s32 $0x3  }
0x5: {  	s19 =	simm.s32 $0x2;
	[smem:$0x7FF] =	sst s2;
	s3 =	sadd.s32 $0x16000, s4  }
0x6: {  	s6 =	sadd.s32 $0xC200, s4;
	s13 =	sand.u32 $0x1, s5;
	s31 =	smul.u32 $0x4F000, s0  }
0x7: {  	s7 =	sadd.s32 $0x2400, s4;
	s16 =	sadd.s32 $0x1B000, s4;
	s9 =	smul.u32 $0x9E0, s0  }
0x8: {  	s17 =	sadd.s32 $0xB9000, s4;
	s11 =	smul.u32 $0x9E00, s0;
	_ =	strace $0x8000004A  }
0x9: {  	s5 =	ssub.s32 $0x2, s13;
	p0 =	seq.s32 s13, $0x0;
	s20 =	smov.u32 s17  }
0xa: {  	s8 =	sshrl.u32 s5, $0x1;
	s7 =	smov.u32 @p0 s6;
	s6 =	smov.u32 s3  }
0xb: {  	s20 =	smov.u32 @p0 s16;
	s10 =	sshrl.u32 s31, $0x3;
	s18 =	sor.u32 $0x100, s11  }
0xc: {  	s5 =	ssub.s32 s5, s8;
	s7 =	sadd.s32 s7, s9;
	s6 =	smov.u32 @p0 s1  }
0xd: {  	s8 =	sadd.s32 s20, s10;
	s21 =	sadd.s32 $0x9D00, s10;
	s9 =	sadd.s32 s11, s20  }
0xe: {  	s10 =	simm.s32 $0x5;
	s11 =	simm.s32 $0x80;
	p0 =	sne.s32 s13, $0x0  }
0xf: {  	s13 =	simm.s32 $0x5700;
	s5 =	smax.u32 s5, $0x1;
	s8 =	sadd.s32 $0x9C00, s8  }
0x10: {  	s16 =	smov.u32 @p0 s17;
	s17 =	simm.s32 $0x4;
	s20 =	sadd.s32 s20, s21  }
0x11: {  	s21 =	simm.s32 $0x0;
	s16 =	sadd.s32 s16, s18;
	s18 =	simm.s32 $0x4E80  }
.LBB2_1:
0x12: {  	[tilespmem:s2], [sflag:$0x5] =	stream.linear.gather [hbm4b:s7+s2], $0x4F00, $0x38;
	[tilespmem:$0x5F00] =	vst v63  }
0x13: {  	_ =	swait.ge [sflag:s10], $0x4F00  }
0x14: {  	[sflag:s10] =	ssyncset.done $0x0  }
0x15: {  	[sflag:s10] =	ssyncadd.s32 $0xFFFFB100  }
0x16: {  	[tilespmem:s12], [sflag:$0x1] =	stream.indirect.gather [hbm4b:s6+s11], $0x10, s2, s11, $0xb8;
	[tilespmem:$0x5F00] =	vst v63  }
0x17: {  	s22 =	simm.s32 $0x80  }
0x18: {  	[tilespmem:s13], [sflag:$0x2] =	stream.indirect.gather [hbm4b:s6+s11], $0x10, s22, s11, $0xb8;
	[tilespmem:$0x5F00] =	vst v63  }
0x19: {  	_ =	swait.ge [sflag:s14], $0x800  }
0x1a: {  	[sflag:s14] =	ssyncset.done $0x0  }
0x1b: {  	s4 =	sadd.s32 $0x0, s9;
	[sflag:s14] =	ssyncadd.s32 $0xFFFFF800  }
0x1c: {  	[hbm4b:s4+s2] =	stream.linear.scatter [tilespmem:s12], [sflag:$0x3], $0x800, $0x38;
	[tilespmem:$0x5F00] =	vst v63  }
0x1d: {  	_ =	swait.ge [sflag:s15], $0x800  }
0x1e: {  	s24 =	simm.s32 @p0 $0x2;
	s25 =	simm.s32 @p0 $0x80;
	[sflag:s15] =	ssyncset.done $0x0  }
0x1f: {  	s26 =	simm.s32 @p0 $0x4F00;
	s22 =	simm.s32 $0x100;
	[sflag:s15] =	ssyncadd.s32 $0xFFFFF800  }
0x20: {  	[tilespmem:s26], [sflag:$0x1] =	stream.indirect.gather @p0 [hbm4b:s3+s25], $0x10, s22, s25, $0xb8;
	[tilespmem:$0x5F00] =	vst v63  }
0x21: {  	_ =	swait.ge @p0 [sflag:s24], $0x800  }
0x22: {  	s28 =	simm.s32 @!p0 $0x2;
	[sflag:s24] =	ssyncset.done @p0 $0x0  }
0x23: {  	s29 =	simm.s32 @!p0 $0x80;
	s30 =	simm.s32 @!p0 $0x4F00;
	[sflag:s24] =	ssyncadd.s32 @p0 $0xFFFFF800  }
0x24: {  	[tilespmem:s30], [sflag:$0x1] =	stream.indirect.gather @!p0 [hbm4b:s1+s29], $0x10, s22, s29, $0xb8;
	[tilespmem:$0x5F00] =	vst v63  }
0x25: {  	_ =	swait.ge @!p0 [sflag:s28], $0x800  }
0x26: {  	[sflag:s28] =	ssyncset.done @!p0 $0x0  }
0x27: {  	s23 =	sadd.s32 $0x0, s16;
	[sflag:s28] =	ssyncadd.s32 @!p0 $0xFFFFF800  }
0x28: {  	[hbm4b:s23+s2] =	stream.linear.scatter [tilespmem:s13], [sflag:$0x4], $0x800, $0x38;
	[tilespmem:$0x5F00] =	vst v63  }
0x29: {  	s31 =	simm.s32 $0x400;
	_ =	swait.ge [sflag:s17], $0x800  }
0x2a: {  	s22 =	simm.s32 $0x200;
	s23 =	simm.s32 $0x200;
	[sflag:s17] =	ssyncset.done $0x0  }
.LBB2_2:
0x2b: {  	s0 =	sadd.s32 $0xFFFFFF80, s23  }
0x2c: {  	[sflag:s17] =	ssyncadd.s32 $0xFFFFF800;
	s4 =	smov.u32 s31;
	s31 =	sadd.s32 $0x200, s31  }
0x2d: {  	[tilespmem:s13], [sflag:$0x2] =	stream.indirect.gather [hbm4b:s6+s11], $0x10, s0, s11, $0xb8;
	[tilespmem:$0x5F00] =	vst v63  }
0x2e: {  	p1 =	sne.s32 s31, $0x9C00;
	_ =	swait.ge [sflag:s14], $0x800  }
0x2f: {  	[sflag:s14] =	ssyncset.done $0x0  }
0x30: {  	s0 =	sadd.s32 s22, s9;
	[sflag:s14] =	ssyncadd.s32 $0xFFFFF800  }
0x31: {  	[hbm4b:s0+s2] =	stream.linear.scatter [tilespmem:s12], [sflag:$0x3], $0x800, $0x38;
	[tilespmem:$0x5F00] =	vst v63  }
0x32: {  	_ =	swait.ge [sflag:s15], $0x800  }
0x33: {  	[sflag:s15] =	ssyncset.done $0x0  }
0x34: {  	[sflag:s15] =	ssyncadd.s32 $0xFFFFF800  }
0x35: {  	[tilespmem:s26], [sflag:$0x1] =	stream.indirect.gather @p0 [hbm4b:s3+s25], $0x10, s23, s25, $0xb8;
	[tilespmem:$0x5F00] =	vst v63  }
0x36: {  	_ =	swait.ge @p0 [sflag:s24], $0x800  }
0x37: {  	[sflag:s24] =	ssyncset.done @p0 $0x0  }
0x38: {  	[sflag:s24] =	ssyncadd.s32 @p0 $0xFFFFF800  }
0x39: {  	[tilespmem:s30], [sflag:$0x1] =	stream.indirect.gather @!p0 [hbm4b:s1+s29], $0x10, s23, s29, $0xb8;
	[tilespmem:$0x5F00] =	vst v63  }
0x3a: {  	_ =	swait.ge @!p0 [sflag:s28], $0x800  }
.Ltmp0:
0x3b: {  	[sflag:s28] =	ssyncset.done @!p0 $0x0;
	(pc) =	sbr.rel @p1 .LBB2_2-.Ltmp0, $4  }
0x3c: {  	s0 =	sadd.s32 s22, s16;
	s22 =	smov.u32 s4;
	[sflag:s28] =	ssyncadd.s32 @!p0 $0xFFFFF800  }
0x3d: {  	[hbm4b:s0+s2] =	stream.linear.scatter [tilespmem:s13], [sflag:$0x4], $0x800, $0x38;
	[tilespmem:$0x5F00] =	vst v63  }
0x3e: {  	_ =	swait.ge [sflag:s17], $0x800  }
0x3f: {  	s23 =	sadd.s32 $0x100, s23;
	[sflag:s17] =	ssyncset.done $0x0  }
0x40: {  	s0 =	sadd.s32 $0xFFFFFF80, s23;
	[sflag:s17] =	ssyncadd.s32 $0xFFFFF800  }
0x41: {  	[tilespmem:s13], [sflag:$0x2] =	stream.indirect.gather [hbm4b:s6+s11], $0x10, s0, s11, $0xb8;
	[tilespmem:$0x5F00] =	vst v63  }
0x42: {  	_ =	swait.ge [sflag:s14], $0x800  }
0x43: {  	[sflag:s14] =	ssyncset.done $0x0  }
0x44: {  	s30 =	sadd.s32 s22, s9;
	[sflag:s14] =	ssyncadd.s32 $0xFFFFF800  }
0x45: {  	[hbm4b:s30+s2] =	stream.linear.scatter [tilespmem:s12], [sflag:$0x3], $0x800, $0x38;
	[tilespmem:$0x5F00] =	vst v63  }
0x46: {  	_ =	swait.ge [sflag:s15], $0x800  }
0x47: {  	s4 =	simm.s32 @p0 $0x80;
	[sflag:s15] =	ssyncset.done $0x0  }
0x48: {  	s24 =	simm.s32 @p0 $0x4F00;
	s0 =	simm.s32 @p0 $0x2;
	[sflag:s15] =	ssyncadd.s32 $0xFFFFF800  }
0x49: {  	[tilespmem:s24], [sflag:$0x1] =	stream.indirect.gather @p0 [hbm4b:s3+s4], $0x10, s23, s4, $0xb8;
	[tilespmem:$0x5F00] =	vst v63  }
0x4a: {  	_ =	swait.ge @p0 [sflag:s0], $0x800  }
0x4b: {  	s4 =	simm.s32 @!p0 $0x2;
	[sflag:s0] =	ssyncset.done @p0 $0x0  }
0x4c: {  	s24 =	simm.s32 @!p0 $0x4F00;
	[sflag:s0] =	ssyncadd.s32 @p0 $0xFFFFF800;
	s0 =	simm.s32 @!p0 $0x80  }
0x4d: {  	[tilespmem:s24], [sflag:$0x1] =	stream.indirect.gather @!p0 [hbm4b:s1+s0], $0x10, s23, s0, $0xb8;
	[tilespmem:$0x5F00] =	vst v63  }
0x4e: {  	_ =	swait.ge @!p0 [sflag:s4], $0x800  }
0x4f: {  	[sflag:s4] =	ssyncset.done @!p0 $0x0  }
0x50: {  	s31 =	sadd.s32 s22, s16;
	[sflag:s4] =	ssyncadd.s32 @!p0 $0xFFFFF800  }
0x51: {  	[hbm4b:s31+s2] =	stream.linear.scatter [tilespmem:s13], [sflag:$0x4], $0x800, $0x38;
	[tilespmem:$0x5F00] =	vst v63  }
0x52: {  	_ =	swait.ge [sflag:s17], $0x800  }
0x53: {  	[sflag:s17] =	ssyncset.done $0x0  }
0x54: {  	[sflag:s17] =	ssyncadd.s32 $0xFFFFF800  }
0x55: {  	[tilespmem:s13], [sflag:$0x2] =	stream.indirect.gather [hbm4b:s6+s11], $0x10, s18, s11, $0xb8;
	[tilespmem:$0x5F00] =	vst v63  }
0x56: {  	_ =	swait.ge [sflag:s14], $0x800  }
0x57: {  	[sflag:s14] =	ssyncset.done $0x0  }
0x58: {  	[sflag:s14] =	ssyncadd.s32 $0xFFFFF800  }
0x59: {  	[hbm4b:s8+s2] =	stream.linear.scatter [tilespmem:s12], [sflag:$0x3], $0x800, $0x38;
	[tilespmem:$0x5F00] =	vst v63  }
0x5a: {  	_ =	swait.ge [sflag:s15], $0x800  }
0x5b: {  	[sflag:s15] =	ssyncset.done $0x0  }
0x5c: {  	[sflag:s15] =	ssyncadd.s32 $0xFFFFF800  }
0x5d: {  	s21 =	sadd.s32 $0x1, s21;
	_ =	swait.ge [sflag:s19], $0x800  }
0x5e: {  	p1 =	sne.s32 s21, s5;
	[sflag:s19] =	ssyncset.done $0x0  }
.Ltmp1:
0x5f: {  	[sflag:s19] =	ssyncadd.s32 $0xFFFFF800;
	(pc) =	sbr.rel @p1 .LBB2_1-.Ltmp1, $4  }
0x60: {  	[hbm4b:s20+s2] =	stream.linear.scatter [tilespmem:s13], [sflag:$0x4], $0x800, $0x38;
	[tilespmem:$0x5F00] =	vst v63  }
0x61: {  	_ =	swait.ge [sflag:s17], $0x800  }
0x62: {  	[sflag:s17] =	ssyncset.done $0x0  }
0x63: {  	[sflag:s17] =	ssyncadd.s32 $0xFFFFF800  }
0x64: {  	_ =	sfence.sel $0x180000  }
0x65: {  	[bflag:$0x0] =	sbarrier.arrive $0xFFFF  }
0x66: {  	_ =	strace $0x9000004A  }
0x67: {  	s0 =	stileid.u32;
	[bflag:$0x2] =	sbarrier.arrive $0xFFFF  }
0x68: {  	p0 =	sne.s32 s0, $0x0;
	s0 =	rddreg [dreg:$0x2]  }
0x69: {  	s0 =	sadd.s32 @!p0 $0x100000, s0  }
0x6a: {  	[sflag:s0] =	ssyncadd.tile.s32 @!p0 $0x1;
	_ =	shalt  }
.Lfunc_end2:
_tile_overlayer_lowered:
.L_overlay_start_2:
0x6b: {  	(tag) =	ssettag $0x2  }
0x6c: {  	s0 =	rddreg [dreg:$0x0];
	s2 =	stileid.u32  }
0x6d: {  	s1 =	rddreg [dreg:$0x1];
	p0 =	sne.s32 s2, $0x0  }
0x6e: {  	s3 =	rddreg [dreg:$0x2];
	[bflag:$0x3] =	sbarrier.arrive $0xFFFF;
	s2 =	simm.s32 @!p0 $0x1C05  }
0x6f: {  	[timem:s3], [sflag:s2] =	dma.local @!p0 [hbm:s0], s1  }
0x70: {  	s0 =	simm.s32 @!p0 $0x5  }
0x71: {  	_ =	swait.ge @!p0 [sflag:s0], s1  }
0x72: {  	s1 =	ssub.s32 @!p0 $0x0, s1;
	[sflag:s0] =	ssyncset.done @!p0 $0x0  }
0x73: {  	[sflag:s0] =	ssyncadd.s32 @!p0 s1  }
0x74: {  	[bflag:$0x3] =	sbarrier.arrive $0xFFFF  }
0x75: {  	_ =	shalt  }

</sc_bundles>
